<compile_context>
chip_gen: v7x
topology: tpu7x:2x2x1
jax: 0.10.2.dev20260603
libtpu: 0.0.44.dev20260713+nightly
codegen_flags: <defaults>
</compile_context>

<pallas_src>
import jax
import jax.numpy as jnp
from jax import lax
from jax.experimental import pallas as pl
from jax.experimental.pallas import tpu as pltpu
from jax.experimental.pallas import tpu_sc as plsc

_N = 10000
_D = 128
_H1 = 32
_H2 = 16
_E = 160000

_CH = 125
_NT = 16
_EPT = _E // _NT
_NCH = _EPT // _CH
_RPT = 632
_NPAD = _RPT * _NT

_BM = 400


def _make_seg_sum_body(width):
    lanes_per_row = width // 16

    def body(src_hbm, dst_hbm, tab_hbm, out_hbm,
             sidx, didx, rows, zbuf, acc, sem):
        c = lax.axis_index("c")
        s = lax.axis_index("s")

        def zstep(i, carry):
            for k in range(lanes_per_row):
                zbuf[i, pl.ds(16 * k, 16)] = jnp.zeros((16,), jnp.float32)
            return carry

        lax.fori_loop(0, _RPT, zstep, 0)
        pltpu.sync_copy(zbuf, acc.at[pl.ds(s * _RPT, _RPT)])

        pltpu.sync_copy(src_hbm.at[c, pl.ds(s * _NCH, _NCH)], sidx)
        pltpu.sync_copy(dst_hbm.at[c, pl.ds(s * _NCH, _NCH)], didx)
        plsc.subcore_barrier()

        pltpu.async_copy(tab_hbm.at[sidx.at[0]], rows.at[0], sem.at[0])

        def estep(j, carry):
            slot = lax.rem(j, 2)
            nxt = lax.rem(j + 1, 2)

            @pl.when(j + 1 < _NCH)
            def _prefetch():
                pltpu.async_copy(tab_hbm.at[sidx.at[j + 1]], rows.at[nxt],
                                 sem.at[nxt])

            pltpu.make_async_copy(tab_hbm.at[sidx.at[j]], rows.at[slot],
                                  sem.at[slot]).wait()
            pltpu.sync_copy(rows.at[slot], acc.at[didx.at[j]], add=True)
            return carry

        lax.fori_loop(0, _NCH, estep, 0)

        plsc.subcore_barrier()
        pltpu.sync_copy(acc.at[pl.ds(s * _RPT, _RPT)],
                        out_hbm.at[c, pl.ds(s * _RPT, _RPT)])

    return body


_seg_sum_kernel_cache = {}


def _segment_sum_sc(src, dst, tab, width):
    if width not in _seg_sum_kernel_cache:
        mesh = plsc.VectorSubcoreMesh(core_axis_name="c", subcore_axis_name="s",
                                      num_cores=2, num_subcores=_NT)
        k = pl.kernel(
            _make_seg_sum_body(width),
            out_type=jax.ShapeDtypeStruct((2, _NPAD, width), jnp.float32),
            mesh=mesh,
            scratch_types=[
                pltpu.VMEM((_NCH, _CH), jnp.int32),
                pltpu.VMEM((_NCH, _CH), jnp.int32),
                pltpu.VMEM((2, _CH, width), jnp.float32),
                pltpu.VMEM((_RPT, width), jnp.float32),
                pltpu.VMEM_SHARED((_NPAD, width), jnp.float32),
                pltpu.SemaphoreType.DMA((2,)),
            ],
            compiler_params=pltpu.CompilerParams(use_tc_tiling_on_sc=False),
        )
        _seg_sum_kernel_cache[width] = k
    return _seg_sum_kernel_cache[width](src, dst, tab)


def _xw_body(x_ref, w_ref, o_ref):
    o_ref[0] = jnp.dot(x_ref[...], w_ref[0],
                       preferred_element_type=jnp.float32)


def _h2_body(l1_ref, nz_ref, w2_ref, o_ref):
    noisy = jnp.maximum(l1_ref[0], 0.0) + nz_ref[0]
    o_ref[0] = jnp.dot(noisy, w2_ref[0], preferred_element_type=jnp.float32)


def _combine_body(emb_ref, wa_ref, z_ref):
    e0 = emb_ref[0]
    e1 = emb_ref[1]
    a0 = jnp.dot(e0, wa_ref[0], preferred_element_type=jnp.float32)
    a1 = jnp.dot(e1, wa_ref[1], preferred_element_type=jnp.float32)
    x0 = jnp.exp(a0)
    x1 = jnp.exp(a1)
    s = x0 + x1
    z_ref[...] = (x0 / s) * e0 + (x1 / s) * e1


def _decoder_body(z_ref, zt_ref, o_ref):
    o_ref[...] = jnp.dot(z_ref[...], zt_ref[...],
                         preferred_element_type=jnp.float32)


def kernel(features, edge_index0, edge_index1,
           W1_0, W2_0, Watt_0, W1_1, W2_1, Watt_1):
    f32 = jnp.float32

    nk = jax.random.key(42)
    noise = jnp.stack([
        jax.random.normal(jax.random.fold_in(nk, 0), (_N, _H1), dtype=f32),
        jax.random.normal(jax.random.fold_in(nk, 1), (_N, _H1), dtype=f32),
    ]) * 0.1

    src = jnp.stack([edge_index0[0], edge_index1[0] + _N])
    src = src.reshape(2, _NT * _NCH, _CH)
    dst = jnp.stack([edge_index0[1], edge_index1[1]])
    dst = dst.reshape(2, _NT * _NCH, _CH)

    w1 = jnp.stack([W1_0, W1_1])
    w2 = jnp.stack([W2_0, W2_1])
    wa = jnp.stack([Watt_0, Watt_1])

    xw1 = pl.pallas_call(
        _xw_body,
        grid=(2,),
        in_specs=[
            pl.BlockSpec((_N, _D), lambda h: (0, 0)),
            pl.BlockSpec((1, _D, _H1), lambda h: (h, 0, 0)),
        ],
        out_specs=pl.BlockSpec((1, _N, _H1), lambda h: (h, 0, 0)),
        out_shape=jax.ShapeDtypeStruct((2, _N, _H1), f32),
    )(features, w1)

    l1 = _segment_sum_sc(src, dst, xw1.reshape(2 * _N, _H1), _H1)[:, :_N]

    h2 = pl.pallas_call(
        _h2_body,
        grid=(2,),
        in_specs=[
            pl.BlockSpec((1, _N, _H1), lambda h: (h, 0, 0)),
            pl.BlockSpec((1, _N, _H1), lambda h: (h, 0, 0)),
            pl.BlockSpec((1, _H1, _H2), lambda h: (h, 0, 0)),
        ],
        out_specs=pl.BlockSpec((1, _N, _H2), lambda h: (h, 0, 0)),
        out_shape=jax.ShapeDtypeStruct((2, _N, _H2), f32),
    )(l1, noise, w2)

    emb = _segment_sum_sc(src, dst, h2.reshape(2 * _N, _H2), _H2)[:, :_N]

    z = pl.pallas_call(
        _combine_body,
        out_shape=jax.ShapeDtypeStruct((_N, _H2), f32),
    )(emb, wa)

    recon = pl.pallas_call(
        _decoder_body,
        grid=(_N // _BM,),
        in_specs=[
            pl.BlockSpec((_BM, _H2), lambda i: (i, 0)),
            pl.BlockSpec((_H2, _N), lambda i: (0, 0)),
        ],
        out_specs=pl.BlockSpec((_BM, _N), lambda i: (i, 0)),
        out_shape=jax.ShapeDtypeStruct((_N, _N), f32),
    )(z, z.T)

    return recon.reshape(-1)

# --- scband reference (transcript-rebuilt; emitter-appended) ---
"""Pipeline reference for scband-arga-73864847556791 (READ-ONLY COPY).

The authoritative reference and input builder live on the scoring server;
editing this copy changes nothing except your own understanding.
"""

import jax, jax.numpy as jnp
import numpy as np

N = 10000
D = 128
H1 = 32
H2 = 16
E = 160000


def setup_inputs(seed: int = 0) -> dict:
    key = jax.random.key(seed)
    ks = jax.random.split(key, 10)
    features = jax.random.normal(ks[0], (N, D), dtype=jnp.float32)
    edge_index0 = jax.random.randint(ks[1], (2, E), 0, N, dtype=jnp.int32)
    edge_index1 = jax.random.randint(ks[2], (2, E), 0, N, dtype=jnp.int32)
    # Glorot-style init for GCN weights per hop (2 hops)
    W1_0 = jax.random.normal(ks[3], (D, H1), dtype=jnp.float32) * (1.0 / np.sqrt(D))
    W2_0 = jax.random.normal(ks[4], (H1, H2), dtype=jnp.float32) * (1.0 / np.sqrt(H1))
    Watt_0 = jax.random.normal(ks[5], (H2, 1), dtype=jnp.float32) * (1.0 / np.sqrt(H2))
    W1_1 = jax.random.normal(ks[6], (D, H1), dtype=jnp.float32) * (1.0 / np.sqrt(D))
    W2_1 = jax.random.normal(ks[7], (H1, H2), dtype=jnp.float32) * (1.0 / np.sqrt(H1))
    Watt_1 = jax.random.normal(ks[8], (H2, 1), dtype=jnp.float32) * (1.0 / np.sqrt(H2))
    return {
        "features": features,
        "edge_index0": edge_index0,
        "edge_index1": edge_index1,
        "W1_0": W1_0,
        "W2_0": W2_0,
        "Watt_0": Watt_0,
        "W1_1": W1_1,
        "W2_1": W2_1,
        "Watt_1": Watt_1,
    }


def _gcn(x, W, edge_index):
    # GraphConvolution: act(adj @ (x @ W)) with sparse (unweighted) adj
    h = x @ W
    msgs = jnp.take(h, edge_index[0], axis=0)  # gather from src nodes
    return jax.ops.segment_sum(msgs, edge_index[1], num_segments=N)  # scatter-add to dst


def reference(features, edge_index0, edge_index1, W1_0, W2_0, Watt_0, W1_1, W2_1, Watt_1):
    edges = [edge_index0, edge_index1]
    params = [(W1_0, W2_0, Watt_0), (W1_1, W2_1, Watt_1)]
    noise_key = jax.random.key(42)
    emb_list = []
    atts = []
    for hop in range(2):
        ei = edges[hop]
        W1, W2, Wa = params[hop]
        # e_dense_1: GraphConvolutionSparse with relu (dropout=0 at inference)
        hidden1 = jax.nn.relu(_gcn(features, W1, ei))
        # gaussian_noise_layer(hidden1, std=0.1)
        noise = jax.random.normal(jax.random.fold_in(noise_key, hop), hidden1.shape, dtype=jnp.float32) * 0.1
        noisy = hidden1 + noise
        # e_dense_2: GraphConvolution, identity activation
        emb = _gcn(noisy, W2, ei)
        emb_list.append(emb)
        # Attention layer: [N, 1] score per node
        atts.append(emb @ Wa)
    att_sum = jnp.exp(atts[0]) + jnp.exp(atts[1])
    embeddings = jnp.zeros((N, H2), dtype=jnp.float32)
    for att, emb in zip(atts, emb_list):
        alpha = jnp.exp(att) / att_sum
        embeddings = embeddings + alpha * emb
    # InnerProductDecoder: flatten(z @ z.T), identity act
    reconstructions = jnp.reshape(embeddings @ embeddings.T, (-1,))
    return reconstructions

if __name__ == "__main__":
    import jax
    _d = setup_inputs()
    print(jax.jit(kernel)(*tuple(_d.values())))

</pallas_src>

<mosaic_0001>
#map = affine_map<(d0, d1) -> (0, 0, 0)>
#map1 = affine_map<(d0, d1) -> (0, 0)>
module attributes {stable_mosaic.version = 14 : i64} {
  func.func @body(%arg0: i32, %arg1: i32, %arg2: memref<2x1280x125xi32, #tpu.memory_space<hbm>>, %arg3: memref<2x1280x125xi32, #tpu.memory_space<hbm>>, %arg4: memref<20000x32xf32, #tpu.memory_space<hbm>>, %arg5: memref<2x10112x32xf32, #tpu.memory_space<hbm>>, %arg6: memref<80x125xi32, #tpu.memory_space<vmem>>, %arg7: memref<80x125xi32, #tpu.memory_space<vmem>>, %arg8: memref<2x125x32xf32, #tpu.memory_space<vmem>>, %arg9: memref<632x32xf32, #tpu.memory_space<vmem>>, %arg10: memref<10112x32xf32, #tpu.memory_space<vmem_shared>>, %arg11: memref<2x!tpu.dma_semaphore, #tpu.memory_space<semaphore_mem>>) attributes {dimension_semantics = [#tpu.dimension_semantics<core_parallel>, #tpu.dimension_semantics<subcore_parallel>], iteration_bounds = array<i64: 2, 16>, scalar_prefetch = 0 : i64, scratch_operands = 6 : i64, tpu.core_type = #tpu.core_type<sc_vector_subcore>, window_params = [{transform_indices = #map}, {transform_indices = #map}, {transform_indices = #map1}, {transform_indices = #map}]} {
    %scan3A = arith.constant 0 : i32
    %scan3A_0 = arith.constant 0 : i32
    %scan3A_1 = arith.constant 632 : i32
    %scan3A_2 = arith.addi %scan3A_0, %scan3A_1 : i32
    %scan3A_3 = arith.constant 1 : i32
    scf.for %scan3A_35 = %scan3A_0 to %scan3A_2 step %scan3A_3  : i32 {
      %broadcast_in_dim3A = arith.constant 0.000000e+00 : f32
      %broadcast_in_dim3A_36 = vector.broadcast %broadcast_in_dim3A : f32 to vector<16xf32>
      %swap3A = arith.index_cast %scan3A_35 : i32 to index
      %swap3A_37 = arith.constant 0 : index
      %swap3A_38 = tpu.vector_load %arg9[%swap3A, %swap3A_37] {strides = array<i32>} : memref<632x32xf32, #tpu.memory_space<vmem>>, vector<1x16xf32>,
      %swap3A_39 = vector.shape_cast %swap3A_38 : vector<1x16xf32> to vector<16xf32>
      %swap3A_40 = vector.shape_cast %broadcast_in_dim3A_36 : vector<16xf32> to vector<1x16xf32>
      tpu.vector_store %arg9[%swap3A, %swap3A_37], %swap3A_40 {strides = array<i32>} : memref<632x32xf32, #tpu.memory_space<vmem>>, vector<1x16xf32>,
      %broadcast_in_dim3A_41 = arith.constant 0.000000e+00 : f32
      %broadcast_in_dim3A_42 = vector.broadcast %broadcast_in_dim3A_41 : f32 to vector<16xf32>
      %swap3A_43 = arith.index_cast %scan3A_35 : i32 to index
      %swap3A_44 = arith.constant 16 : index
      %swap3A_45 = tpu.vector_load %arg9[%swap3A_43, %swap3A_44] {strides = array<i32>} : memref<632x32xf32, #tpu.memory_space<vmem>>, vector<1x16xf32>,
      %swap3A_46 = vector.shape_cast %swap3A_45 : vector<1x16xf32> to vector<16xf32>
      %swap3A_47 = vector.shape_cast %broadcast_in_dim3A_42 : vector<16xf32> to vector<1x16xf32>
      tpu.vector_store %arg9[%swap3A_43, %swap3A_44], %swap3A_47 {strides = array<i32>} : memref<632x32xf32, #tpu.memory_space<vmem>>, vector<1x16xf32>,
    }
    %scan3A_4 = arith.constant 632 : i32
    %mul3A = arith.constant 632 : i32
    %mul3A_5 = arith.muli %arg1, %mul3A : i32
    "tpu.region"() ({
      %run_scoped3A = tpu.sem_alloc : memref<!tpu.dma_semaphore, #tpu.memory_space<semaphore_mem>>
      %dma_start3A_35 = arith.constant 0 : i32
      %dma_start3A_36 = tpu.memref_slice %arg10[%mul3A_5, %dma_start3A_35] : memref<10112x32xf32, #tpu.memory_space<vmem_shared>> -> memref<632x32xf32, #tpu.memory_space<vmem_shared>>
      %dma_start3A_37 = arith.constant 0 : i32
      %dma_start3A_38 = tpu.memref_slice %arg10[%mul3A_5, %dma_start3A_37] : memref<10112x32xf32, #tpu.memory_space<vmem_shared>> -> memref<632x32xf32, #tpu.memory_space<vmem_shared>>
      tpu.enqueue_dma source(%arg9 : memref<632x32xf32, #tpu.memory_space<vmem>>) target(%dma_start3A_38 : memref<632x32xf32, #tpu.memory_space<vmem_shared>>) target_semaphore(%run_scoped3A : memref<!tpu.dma_semaphore, #tpu.memory_space<semaphore_mem>>)
      %dma_wait3A = arith.constant 0 : i32
      %dma_wait3A_39 = tpu.memref_slice %arg10[%mul3A_5, %dma_wait3A] : memref<10112x32xf32, #tpu.memory_space<vmem_shared>> -> memref<632x32xf32, #tpu.memory_space<vmem_shared>>
      %dma_wait3A_40 = arith.constant 0 : i32
      %dma_wait3A_41 = tpu.memref_slice %arg10[%mul3A_5, %dma_wait3A_40] : memref<10112x32xf32, #tpu.memory_space<vmem_shared>> -> memref<632x32xf32, #tpu.memory_space<vmem_shared>>
      tpu.wait_dma2 semaphore(%run_scoped3A : memref<!tpu.dma_semaphore, #tpu.memory_space<semaphore_mem>>) src(%arg9 : memref<632x32xf32, #tpu.memory_space<vmem>>) dst(%dma_wait3A_41 : memref<632x32xf32, #tpu.memory_space<vmem_shared>>)
      tpu.yield
    }) : () -> ()
    %mul3A_6 = arith.constant 80 : i32
    %mul3A_7 = arith.muli %arg1, %mul3A_6 : i32
    "tpu.region"() ({
      %run_scoped3A = tpu.sem_alloc : memref<!tpu.dma_semaphore, #tpu.memory_space<semaphore_mem>>
      %dma_start3A_35 = arith.constant 0 : i32
      %dma_start3A_36 = tpu.memref_slice %arg2[%arg0, %mul3A_7, %dma_start3A_35] : memref<2x1280x125xi32, #tpu.memory_space<hbm>> -> memref<1x80x125xi32, #tpu.memory_space<hbm>>
      %dma_start3A_37 = tpu.memref_squeeze %dma_start3A_36 : memref<1x80x125xi32, #tpu.memory_space<hbm>> -> memref<80x125xi32, #tpu.memory_space<hbm>>
      %dma_start3A_38 = arith.constant 0 : i32
      %dma_start3A_39 = tpu.memref_slice %arg2[%arg0, %mul3A_7, %dma_start3A_38] : memref<2x1280x125xi32, #tpu.memory_space<hbm>> -> memref<1x80x125xi32, #tpu.memory_space<hbm>>
      %dma_start3A_40 = tpu.memref_squeeze %dma_start3A_39 : memref<1x80x125xi32, #tpu.memory_space<hbm>> -> memref<80x125xi32, #tpu.memory_space<hbm>>
      tpu.enqueue_dma source(%dma_start3A_40 : memref<80x125xi32, #tpu.memory_space<hbm>>) target(%arg6 : memref<80x125xi32, #tpu.memory_space<vmem>>) target_semaphore(%run_scoped3A : memref<!tpu.dma_semaphore, #tpu.memory_space<semaphore_mem>>)
      %dma_wait3A = arith.constant 0 : i32
      %dma_wait3A_41 = tpu.memref_slice %arg2[%arg0, %mul3A_7, %dma_wait3A] : memref<2x1280x125xi32, #tpu.memory_space<hbm>> -> memref<1x80x125xi32, #tpu.memory_space<hbm>>
      %dma_wait3A_42 = tpu.memref_squeeze %dma_wait3A_41 : memref<1x80x125xi32, #tpu.memory_space<hbm>> -> memref<80x125xi32, #tpu.memory_space<hbm>>
      %dma_wait3A_43 = arith.constant 0 : i32
      %dma_wait3A_44 = tpu.memref_slice %arg2[%arg0, %mul3A_7, %dma_wait3A_43] : memref<2x1280x125xi32, #tpu.memory_space<hbm>> -> memref<1x80x125xi32, #tpu.memory_space<hbm>>
      %dma_wait3A_45 = tpu.memref_squeeze %dma_wait3A_44 : memref<1x80x125xi32, #tpu.memory_space<hbm>> -> memref<80x125xi32, #tpu.memory_space<hbm>>
      tpu.wait_dma2 semaphore(%run_scoped3A : memref<!tpu.dma_semaphore, #tpu.memory_space<semaphore_mem>>) src(%dma_wait3A_45 : memref<80x125xi32, #tpu.memory_space<hbm>>) dst(%arg6 : memref<80x125xi32, #tpu.memory_space<vmem>>)
      tpu.yield
    }) : () -> ()
    %mul3A_8 = arith.constant 80 : i32
    %mul3A_9 = arith.muli %arg1, %mul3A_8 : i32
    "tpu.region"() ({
      %run_scoped3A = tpu.sem_alloc : memref<!tpu.dma_semaphore, #tpu.memory_space<semaphore_mem>>
      %dma_start3A_35 = arith.constant 0 : i32
      %dma_start3A_36 = tpu.memref_slice %arg3[%arg0, %mul3A_9, %dma_start3A_35] : memref<2x1280x125xi32, #tpu.memory_space<hbm>> -> memref<1x80x125xi32, #tpu.memory_space<hbm>>
      %dma_start3A_37 = tpu.memref_squeeze %dma_start3A_36 : memref<1x80x125xi32, #tpu.memory_space<hbm>> -> memref<80x125xi32, #tpu.memory_space<hbm>>
      %dma_start3A_38 = arith.constant 0 : i32
      %dma_start3A_39 = tpu.memref_slice %arg3[%arg0, %mul3A_9, %dma_start3A_38] : memref<2x1280x125xi32, #tpu.memory_space<hbm>> -> memref<1x80x125xi32, #tpu.memory_space<hbm>>
      %dma_start3A_40 = tpu.memref_squeeze %dma_start3A_39 : memref<1x80x125xi32, #tpu.memory_space<hbm>> -> memref<80x125xi32, #tpu.memory_space<hbm>>
      tpu.enqueue_dma source(%dma_start3A_40 : memref<80x125xi32, #tpu.memory_space<hbm>>) target(%arg7 : memref<80x125xi32, #tpu.memory_space<vmem>>) target_semaphore(%run_scoped3A : memref<!tpu.dma_semaphore, #tpu.memory_space<semaphore_mem>>)
      %dma_wait3A = arith.constant 0 : i32
      %dma_wait3A_41 = tpu.memref_slice %arg3[%arg0, %mul3A_9, %dma_wait3A] : memref<2x1280x125xi32, #tpu.memory_space<hbm>> -> memref<1x80x125xi32, #tpu.memory_space<hbm>>
      %dma_wait3A_42 = tpu.memref_squeeze %dma_wait3A_41 : memref<1x80x125xi32, #tpu.memory_space<hbm>> -> memref<80x125xi32, #tpu.memory_space<hbm>>
      %dma_wait3A_43 = arith.constant 0 : i32
      %dma_wait3A_44 = tpu.memref_slice %arg3[%arg0, %mul3A_9, %dma_wait3A_43] : memref<2x1280x125xi32, #tpu.memory_space<hbm>> -> memref<1x80x125xi32, #tpu.memory_space<hbm>>
      %dma_wait3A_45 = tpu.memref_squeeze %dma_wait3A_44 : memref<1x80x125xi32, #tpu.memory_space<hbm>> -> memref<80x125xi32, #tpu.memory_space<hbm>>
      tpu.wait_dma2 semaphore(%run_scoped3A : memref<!tpu.dma_semaphore, #tpu.memory_space<semaphore_mem>>) src(%dma_wait3A_45 : memref<80x125xi32, #tpu.memory_space<hbm>>) dst(%arg7 : memref<80x125xi32, #tpu.memory_space<vmem>>)
      tpu.yield
    }) : () -> ()
    %barrier3A = arith.constant 0 : index
    tpu.barrier barrier_id(%barrier3A)
    %dma_start3A = arith.constant 0 : i32
    %dma_start3A_10 = arith.constant 0 : i32
    %dma_start3A_11 = arith.constant 0 : i32
    %dma_start3A_12 = arith.constant 0 : i32
    %dma_start3A_13 = arith.constant 0 : i32
    %dma_start3A_14 = tpu.memref_slice %arg8[%dma_start3A_10, %dma_start3A_12, %dma_start3A_13] : memref<2x125x32xf32, #tpu.memory_space<vmem>> -> memref<1x125x32xf32, #tpu.memory_space<vmem>>
    %dma_start3A_15 = tpu.memref_squeeze %dma_start3A_14 : memref<1x125x32xf32, #tpu.memory_space<vmem>> -> memref<125x32xf32, #tpu.memory_space<vmem>>
    %dma_start3A_16 = arith.constant 0 : i32
    %dma_start3A_17 = tpu.memref_slice %arg6[%dma_start3A, %dma_start3A_16] : memref<80x125xi32, #tpu.memory_space<vmem>> -> memref<1x125xi32, #tpu.memory_space<vmem>>
    %dma_start3A_18 = tpu.memref_squeeze %dma_start3A_17 : memref<1x125xi32, #tpu.memory_space<vmem>> -> memref<125xi32, #tpu.memory_space<vmem>>
    %dma_start3A_19 = arith.constant 0 : i32
    %dma_start3A_20 = arith.constant 0 : i32
    %dma_start3A_21 = tpu.memref_slice %arg4[%dma_start3A_19, %dma_start3A_20] : memref<20000x32xf32, #tpu.memory_space<hbm>> -> memref<20000x32xf32, #tpu.memory_space<hbm>>
    %dma_start3A_22 = tpu.memref_slice %arg11[%dma_start3A_11] : memref<2x!tpu.dma_semaphore, #tpu.memory_space<semaphore_mem>> -> memref<1x!tpu.dma_semaphore, #tpu.memory_space<semaphore_mem>>
    %dma_start3A_23 = tpu.memref_squeeze %dma_start3A_22 : memref<1x!tpu.dma_semaphore, #tpu.memory_space<semaphore_mem>> -> memref<!tpu.dma_semaphore, #tpu.memory_space<semaphore_mem>>
    tpu.enqueue_indirect_dma source(%dma_start3A_21 : memref<20000x32xf32, #tpu.memory_space<hbm>>) target(%dma_start3A_15 : memref<125x32xf32, #tpu.memory_space<vmem>>) offsets(%dma_start3A_18 : memref<125xi32, #tpu.memory_space<vmem>>) semaphore(%dma_start3A_23 : memref<!tpu.dma_semaphore, #tpu.memory_space<semaphore_mem>>)
    %scan3A_24 = arith.constant 0 : i32
    %scan3A_25 = arith.constant 0 : i32
    %scan3A_26 = arith.constant 80 : i32
    %scan3A_27 = arith.addi %scan3A_25, %scan3A_26 : i32
    %scan3A_28 = arith.constant 1 : i32
    scf.for %scan3A_35 = %scan3A_25 to %scan3A_27 step %scan3A_28  : i32 {
      %rem3A = arith.constant 2 : i32
      %rem3A_36 = arith.remsi %scan3A_35, %rem3A : i32
      %add3A = arith.constant 1 : i32
      %add3A_37 = arith.addi %scan3A_35, %add3A : i32
      %rem3A_38 = arith.constant 2 : i32
      %rem3A_39 = arith.remsi %add3A_37, %rem3A_38 : i32
      %add3A_40 = arith.constant 1 : i32
      %add3A_41 = arith.addi %scan3A_35, %add3A_40 : i32
      %lt3A = arith.constant 80 : i32
      %lt3A_42 = arith.cmpi slt, %add3A_41, %lt3A : i32
      %convert_element_type3A = arith.extui %lt3A_42 : i1 to i32
      %cond3A = arith.constant 0 : i32
      %cond3A_43 = arith.cmpi ne, %convert_element_type3A, %cond3A : i32
      scf.if %cond3A_43 {
        %add3A_55 = arith.constant 1 : i32
        %add3A_56 = arith.addi %scan3A_35, %add3A_55 : i32
        %dma_start3A_57 = arith.constant 0 : i32
        %dma_start3A_58 = arith.constant 0 : i32
        %dma_start3A_59 = tpu.memref_slice %arg8[%rem3A_39, %dma_start3A_57, %dma_start3A_58] : memref<2x125x32xf32, #tpu.memory_space<vmem>> -> memref<1x125x32xf32, #tpu.memory_space<vmem>>
        %dma_start3A_60 = tpu.memref_squeeze %dma_start3A_59 : memref<1x125x32xf32, #tpu.memory_space<vmem>> -> memref<125x32xf32, #tpu.memory_space<vmem>>
        %dma_start3A_61 = arith.constant 0 : i32
        %dma_start3A_62 = tpu.memref_slice %arg6[%add3A_56, %dma_start3A_61] : memref<80x125xi32, #tpu.memory_space<vmem>> -> memref<1x125xi32, #tpu.memory_space<vmem>>
        %dma_start3A_63 = tpu.memref_squeeze %dma_start3A_62 : memref<1x125xi32, #tpu.memory_space<vmem>> -> memref<125xi32, #tpu.memory_space<vmem>>
        %dma_start3A_64 = arith.constant 0 : i32
        %dma_start3A_65 = arith.constant 0 : i32
        %dma_start3A_66 = tpu.memref_slice %arg4[%dma_start3A_64, %dma_start3A_65] : memref<20000x32xf32, #tpu.memory_space<hbm>> -> memref<20000x32xf32, #tpu.memory_space<hbm>>
        %dma_start3A_67 = tpu.memref_slice %arg11[%rem3A_39] : memref<2x!tpu.dma_semaphore, #tpu.memory_space<semaphore_mem>> -> memref<1x!tpu.dma_semaphore, #tpu.memory_space<semaphore_mem>>
        %dma_start3A_68 = tpu.memref_squeeze %dma_start3A_67 : memref<1x!tpu.dma_semaphore, #tpu.memory_space<semaphore_mem>> -> memref<!tpu.dma_semaphore, #tpu.memory_space<semaphore_mem>>
        tpu.enqueue_indirect_dma source(%dma_start3A_66 : memref<20000x32xf32, #tpu.memory_space<hbm>>) target(%dma_start3A_60 : memref<125x32xf32, #tpu.memory_space<vmem>>) offsets(%dma_start3A_63 : memref<125xi32, #tpu.memory_space<vmem>>) semaphore(%dma_start3A_68 : memref<!tpu.dma_semaphore, #tpu.memory_space<semaphore_mem>>)
      } else {
      }
      %dma_wait3A = arith.constant 0 : i32
      %dma_wait3A_44 = arith.constant 0 : i32
      %dma_wait3A_45 = tpu.memref_slice %arg8[%rem3A_36, %dma_wait3A, %dma_wait3A_44] : memref<2x125x32xf32, #tpu.memory_space<vmem>> -> memref<1x125x32xf32, #tpu.memory_space<vmem>>
      %dma_wait3A_46 = tpu.memref_squeeze %dma_wait3A_45 : memref<1x125x32xf32, #tpu.memory_space<vmem>> -> memref<125x32xf32, #tpu.memory_space<vmem>>
      %dma_wait3A_47 = arith.constant 0 : i32
      %dma_wait3A_48 = tpu.memref_slice %arg6[%scan3A_35, %dma_wait3A_47] : memref<80x125xi32, #tpu.memory_space<vmem>> -> memref<1x125xi32, #tpu.memory_space<vmem>>
      %dma_wait3A_49 = tpu.memref_squeeze %dma_wait3A_48 : memref<1x125xi32, #tpu.memory_space<vmem>> -> memref<125xi32, #tpu.memory_space<vmem>>
      %dma_wait3A_50 = arith.constant 0 : i32
      %dma_wait3A_51 = arith.constant 0 : i32
      %dma_wait3A_52 = tpu.memref_slice %arg4[%dma_wait3A_50, %dma_wait3A_51] : memref<20000x32xf32, #tpu.memory_space<hbm>> -> memref<20000x32xf32, #tpu.memory_space<hbm>>
      %dma_wait3A_53 = tpu.memref_slice %arg11[%rem3A_36] : memref<2x!tpu.dma_semaphore, #tpu.memory_space<semaphore_mem>> -> memref<1x!tpu.dma_semaphore, #tpu.memory_space<semaphore_mem>>
      %dma_wait3A_54 = tpu.memref_squeeze %dma_wait3A_53 : memref<1x!tpu.dma_semaphore, #tpu.memory_space<semaphore_mem>> -> memref<!tpu.dma_semaphore, #tpu.memory_space<semaphore_mem>>
      tpu.wait_indirect_dma semaphore(%dma_wait3A_54 : memref<!tpu.dma_semaphore, #tpu.memory_space<semaphore_mem>>) src(%dma_wait3A_52 : memref<20000x32xf32, #tpu.memory_space<hbm>>) dst(%dma_wait3A_46 : memref<125x32xf32, #tpu.memory_space<vmem>>)
      "tpu.region"() ({
        %run_scoped3A = tpu.sem_alloc : memref<!tpu.dma_semaphore, #tpu.memory_space<semaphore_mem>>
        %dma_start3A_55 = arith.constant 0 : i32
        %dma_start3A_56 = arith.constant 0 : i32
        %dma_start3A_57 = tpu.memref_slice %arg8[%rem3A_36, %dma_start3A_55, %dma_start3A_56] : memref<2x125x32xf32, #tpu.memory_space<vmem>> -> memref<1x125x32xf32, #tpu.memory_space<vmem>>
        %dma_start3A_58 = tpu.memref_squeeze %dma_start3A_57 : memref<1x125x32xf32, #tpu.memory_space<vmem>> -> memref<125x32xf32, #tpu.memory_space<vmem>>
        %dma_start3A_59 = arith.constant 0 : i32
        %dma_start3A_60 = tpu.memref_slice %arg7[%scan3A_35, %dma_start3A_59] : memref<80x125xi32, #tpu.memory_space<vmem>> -> memref<1x125xi32, #tpu.memory_space<vmem>>
        %dma_start3A_61 = tpu.memref_squeeze %dma_start3A_60 : memref<1x125xi32, #tpu.memory_space<vmem>> -> memref<125xi32, #tpu.memory_space<vmem>>
        %dma_start3A_62 = arith.constant 0 : i32
        %dma_start3A_63 = arith.constant 0 : i32
        %dma_start3A_64 = tpu.memref_slice %arg10[%dma_start3A_62, %dma_start3A_63] : memref<10112x32xf32, #tpu.memory_space<vmem_shared>> -> memref<10112x32xf32, #tpu.memory_space<vmem_shared>>
        tpu.enqueue_indirect_dma source(%dma_start3A_58 : memref<125x32xf32, #tpu.memory_space<vmem>>) target(%dma_start3A_64 : memref<10112x32xf32, #tpu.memory_space<vmem_shared>>) offsets(%dma_start3A_61 : memref<125xi32, #tpu.memory_space<vmem>>) semaphore(%run_scoped3A : memref<!tpu.dma_semaphore, #tpu.memory_space<semaphore_mem>>) {add = true}
        %dma_wait3A_65 = arith.constant 0 : i32
        %dma_wait3A_66 = arith.constant 0 : i32
        %dma_wait3A_67 = tpu.memref_slice %arg8[%rem3A_36, %dma_wait3A_65, %dma_wait3A_66] : memref<2x125x32xf32, #tpu.memory_space<vmem>> -> memref<1x125x32xf32, #tpu.memory_space<vmem>>
        %dma_wait3A_68 = tpu.memref_squeeze %dma_wait3A_67 : memref<1x125x32xf32, #tpu.memory_space<vmem>> -> memref<125x32xf32, #tpu.memory_space<vmem>>
        %dma_wait3A_69 = arith.constant 0 : i32
        %dma_wait3A_70 = tpu.memref_slice %arg7[%scan3A_35, %dma_wait3A_69] : memref<80x125xi32, #tpu.memory_space<vmem>> -> memref<1x125xi32, #tpu.memory_space<vmem>>
        %dma_wait3A_71 = tpu.memref_squeeze %dma_wait3A_70 : memref<1x125xi32, #tpu.memory_space<vmem>> -> memref<125xi32, #tpu.memory_space<vmem>>
        %dma_wait3A_72 = arith.constant 0 : i32
        %dma_wait3A_73 = arith.constant 0 : i32
        %dma_wait3A_74 = tpu.memref_slice %arg10[%dma_wait3A_72, %dma_wait3A_73] : memref<10112x32xf32, #tpu.memory_space<vmem_shared>> -> memref<10112x32xf32, #tpu.memory_space<vmem_shared>>
        tpu.wait_indirect_dma semaphore(%run_scoped3A : memref<!tpu.dma_semaphore, #tpu.memory_space<semaphore_mem>>) src(%dma_wait3A_68 : memref<125x32xf32, #tpu.memory_space<vmem>>) dst(%dma_wait3A_74 : memref<10112x32xf32, #tpu.memory_space<vmem_shared>>)
        tpu.yield
      }) : () -> ()
    }
    %scan3A_29 = arith.constant 80 : i32
    %barrier3A_30 = arith.constant 0 : index
    tpu.barrier barrier_id(%barrier3A_30)
    %mul3A_31 = arith.constant 632 : i32
    %mul3A_32 = arith.muli %arg1, %mul3A_31 : i32
    %mul3A_33 = arith.constant 632 : i32
    %mul3A_34 = arith.muli %arg1, %mul3A_33 : i32
    "tpu.region"() ({
      %run_scoped3A = tpu.sem_alloc : memref<!tpu.dma_semaphore, #tpu.memory_space<semaphore_mem>>
      %dma_start3A_35 = arith.constant 0 : i32
      %dma_start3A_36 = tpu.memref_slice %arg5[%arg0, %mul3A_34, %dma_start3A_35] : memref<2x10112x32xf32, #tpu.memory_space<hbm>> -> memref<1x632x32xf32, #tpu.memory_space<hbm>>
      %dma_start3A_37 = tpu.memref_squeeze %dma_start3A_36 : memref<1x632x32xf32, #tpu.memory_space<hbm>> -> memref<632x32xf32, #tpu.memory_space<hbm>>
      %dma_start3A_38 = arith.constant 0 : i32
      %dma_start3A_39 = tpu.memref_slice %arg10[%mul3A_32, %dma_start3A_38] : memref<10112x32xf32, #tpu.memory_space<vmem_shared>> -> memref<632x32xf32, #tpu.memory_space<vmem_shared>>
      tpu.enqueue_dma source(%dma_start3A_39 : memref<632x32xf32, #tpu.memory_space<vmem_shared>>) target(%dma_start3A_37 : memref<632x32xf32, #tpu.memory_space<hbm>>) target_semaphore(%run_scoped3A : memref<!tpu.dma_semaphore, #tpu.memory_space<semaphore_mem>>)
      %dma_wait3A = arith.constant 0 : i32
      %dma_wait3A_40 = tpu.memref_slice %arg5[%arg0, %mul3A_34, %dma_wait3A] : memref<2x10112x32xf32, #tpu.memory_space<hbm>> -> memref<1x632x32xf32, #tpu.memory_space<hbm>>
      %dma_wait3A_41 = tpu.memref_squeeze %dma_wait3A_40 : memref<1x632x32xf32, #tpu.memory_space<hbm>> -> memref<632x32xf32, #tpu.memory_space<hbm>>
      %dma_wait3A_42 = arith.constant 0 : i32
      %dma_wait3A_43 = tpu.memref_slice %arg10[%mul3A_32, %dma_wait3A_42] : memref<10112x32xf32, #tpu.memory_space<vmem_shared>> -> memref<632x32xf32, #tpu.memory_space<vmem_shared>>
      tpu.wait_dma2 semaphore(%run_scoped3A : memref<!tpu.dma_semaphore, #tpu.memory_space<semaphore_mem>>) src(%dma_wait3A_43 : memref<632x32xf32, #tpu.memory_space<vmem_shared>>) dst(%dma_wait3A_41 : memref<632x32xf32, #tpu.memory_space<hbm>>)
      tpu.yield
    }) : () -> ()
    return
  }
}

#map = affine_map<(d0, d1) -> (0, 0, 0)>
#map1 = affine_map<(d0, d1) -> (0, 0)>
module attributes {stable_mosaic.version = 14 : i64} {
  func.func @body(%arg0: i32, %arg1: i32, %arg2: memref<2x1280x125xi32, #tpu.memory_space<hbm>>, %arg3: memref<2x1280x125xi32, #tpu.memory_space<hbm>>, %arg4: memref<20000x16xf32, #tpu.memory_space<hbm>>, %arg5: memref<2x10112x16xf32, #tpu.memory_space<hbm>>, %arg6: memref<80x125xi32, #tpu.memory_space<vmem>>, %arg7: memref<80x125xi32, #tpu.memory_space<vmem>>, %arg8: memref<2x125x16xf32, #tpu.memory_space<vmem>>, %arg9: memref<632x16xf32, #tpu.memory_space<vmem>>, %arg10: memref<10112x16xf32, #tpu.memory_space<vmem_shared>>, %arg11: memref<2x!tpu.dma_semaphore, #tpu.memory_space<semaphore_mem>>) attributes {dimension_semantics = [#tpu.dimension_semantics<core_parallel>, #tpu.dimension_semantics<subcore_parallel>], iteration_bounds = array<i64: 2, 16>, scalar_prefetch = 0 : i64, scratch_operands = 6 : i64, tpu.core_type = #tpu.core_type<sc_vector_subcore>, window_params = [{transform_indices = #map}, {transform_indices = #map}, {transform_indices = #map1}, {transform_indices = #map}]} {
    %scan3A = arith.constant 0 : i32
    %scan3A_0 = arith.constant 0 : i32
    %scan3A_1 = arith.constant 632 : i32
    %scan3A_2 = arith.addi %scan3A_0, %scan3A_1 : i32
    %scan3A_3 = arith.constant 1 : i32
    scf.for %scan3A_35 = %scan3A_0 to %scan3A_2 step %scan3A_3  : i32 {
      %broadcast_in_dim3A = arith.constant 0.000000e+00 : f32
      %broadcast_in_dim3A_36 = vector.broadcast %broadcast_in_dim3A : f32 to vector<16xf32>
      %swap3A = arith.index_cast %scan3A_35 : i32 to index
      %swap3A_37 = arith.constant 0 : index
      %swap3A_38 = tpu.vector_load %arg9[%swap3A, %swap3A_37] {strides = array<i32>} : memref<632x16xf32, #tpu.memory_space<vmem>>, vector<1x16xf32>,
      %swap3A_39 = vector.shape_cast %swap3A_38 : vector<1x16xf32> to vector<16xf32>
      %swap3A_40 = vector.shape_cast %broadcast_in_dim3A_36 : vector<16xf32> to vector<1x16xf32>
      tpu.vector_store %arg9[%swap3A, %swap3A_37], %swap3A_40 {strides = array<i32>} : memref<632x16xf32, #tpu.memory_space<vmem>>, vector<1x16xf32>,
    }
    %scan3A_4 = arith.constant 632 : i32
    %mul3A = arith.constant 632 : i32
    %mul3A_5 = arith.muli %arg1, %mul3A : i32
    "tpu.region"() ({
      %run_scoped3A = tpu.sem_alloc : memref<!tpu.dma_semaphore, #tpu.memory_space<semaphore_mem>>
      %dma_start3A_35 = arith.constant 0 : i32
      %dma_start3A_36 = tpu.memref_slice %arg10[%mul3A_5, %dma_start3A_35] : memref<10112x16xf32, #tpu.memory_space<vmem_shared>> -> memref<632x16xf32, #tpu.memory_space<vmem_shared>>
      %dma_start3A_37 = arith.constant 0 : i32
      %dma_start3A_38 = tpu.memref_slice %arg10[%mul3A_5, %dma_start3A_37] : memref<10112x16xf32, #tpu.memory_space<vmem_shared>> -> memref<632x16xf32, #tpu.memory_space<vmem_shared>>
      tpu.enqueue_dma source(%arg9 : memref<632x16xf32, #tpu.memory_space<vmem>>) target(%dma_start3A_38 : memref<632x16xf32, #tpu.memory_space<vmem_shared>>) target_semaphore(%run_scoped3A : memref<!tpu.dma_semaphore, #tpu.memory_space<semaphore_mem>>)
      %dma_wait3A = arith.constant 0 : i32
      %dma_wait3A_39 = tpu.memref_slice %arg10[%mul3A_5, %dma_wait3A] : memref<10112x16xf32, #tpu.memory_space<vmem_shared>> -> memref<632x16xf32, #tpu.memory_space<vmem_shared>>
      %dma_wait3A_40 = arith.constant 0 : i32
      %dma_wait3A_41 = tpu.memref_slice %arg10[%mul3A_5, %dma_wait3A_40] : memref<10112x16xf32, #tpu.memory_space<vmem_shared>> -> memref<632x16xf32, #tpu.memory_space<vmem_shared>>
      tpu.wait_dma2 semaphore(%run_scoped3A : memref<!tpu.dma_semaphore, #tpu.memory_space<semaphore_mem>>) src(%arg9 : memref<632x16xf32, #tpu.memory_space<vmem>>) dst(%dma_wait3A_41 : memref<632x16xf32, #tpu.memory_space<vmem_shared>>)
      tpu.yield
    }) : () -> ()
    %mul3A_6 = arith.constant 80 : i32
    %mul3A_7 = arith.muli %arg1, %mul3A_6 : i32
    "tpu.region"() ({
      %run_scoped3A = tpu.sem_alloc : memref<!tpu.dma_semaphore, #tpu.memory_space<semaphore_mem>>
      %dma_start3A_35 = arith.constant 0 : i32
      %dma_start3A_36 = tpu.memref_slice %arg2[%arg0, %mul3A_7, %dma_start3A_35] : memref<2x1280x125xi32, #tpu.memory_space<hbm>> -> memref<1x80x125xi32, #tpu.memory_space<hbm>>
      %dma_start3A_37 = tpu.memref_squeeze %dma_start3A_36 : memref<1x80x125xi32, #tpu.memory_space<hbm>> -> memref<80x125xi32, #tpu.memory_space<hbm>>
      %dma_start3A_38 = arith.constant 0 : i32
      %dma_start3A_39 = tpu.memref_slice %arg2[%arg0, %mul3A_7, %dma_start3A_38] : memref<2x1280x125xi32, #tpu.memory_space<hbm>> -> memref<1x80x125xi32, #tpu.memory_space<hbm>>
      %dma_start3A_40 = tpu.memref_squeeze %dma_start3A_39 : memref<1x80x125xi32, #tpu.memory_space<hbm>> -> memref<80x125xi32, #tpu.memory_space<hbm>>
      tpu.enqueue_dma source(%dma_start3A_40 : memref<80x125xi32, #tpu.memory_space<hbm>>) target(%arg6 : memref<80x125xi32, #tpu.memory_space<vmem>>) target_semaphore(%run_scoped3A : memref<!tpu.dma_semaphore, #tpu.memory_space<semaphore_mem>>)
      %dma_wait3A = arith.constant 0 : i32
      %dma_wait3A_41 = tpu.memref_slice %arg2[%arg0, %mul3A_7, %dma_wait3A] : memref<2x1280x125xi32, #tpu.memory_space<hbm>> -> memref<1x80x125xi32, #tpu.memory_space<hbm>>
      %dma_wait3A_42 = tpu.memref_squeeze %dma_wait3A_41 : memref<1x80x125xi32, #tpu.memory_space<hbm>> -> memref<80x125xi32, #tpu.memory_space<hbm>>
      %dma_wait3A_43 = arith.constant 0 : i32
      %dma_wait3A_44 = tpu.memref_slice %arg2[%arg0, %mul3A_7, %dma_wait3A_43] : memref<2x1280x125xi32, #tpu.memory_space<hbm>> -> memref<1x80x125xi32, #tpu.memory_space<hbm>>
      %dma_wait3A_45 = tpu.memref_squeeze %dma_wait3A_44 : memref<1x80x125xi32, #tpu.memory_space<hbm>> -> memref<80x125xi32, #tpu.memory_space<hbm>>
      tpu.wait_dma2 semaphore(%run_scoped3A : memref<!tpu.dma_semaphore, #tpu.memory_space<semaphore_mem>>) src(%dma_wait3A_45 : memref<80x125xi32, #tpu.memory_space<hbm>>) dst(%arg6 : memref<80x125xi32, #tpu.memory_space<vmem>>)
      tpu.yield
    }) : () -> ()
    %mul3A_8 = arith.constant 80 : i32
    %mul3A_9 = arith.muli %arg1, %mul3A_8 : i32
    "tpu.region"() ({
      %run_scoped3A = tpu.sem_alloc : memref<!tpu.dma_semaphore, #tpu.memory_space<semaphore_mem>>
      %dma_start3A_35 = arith.constant 0 : i32
      %dma_start3A_36 = tpu.memref_slice %arg3[%arg0, %mul3A_9, %dma_start3A_35] : memref<2x1280x125xi32, #tpu.memory_space<hbm>> -> memref<1x80x125xi32, #tpu.memory_space<hbm>>
      %dma_start3A_37 = tpu.memref_squeeze %dma_start3A_36 : memref<1x80x125xi32, #tpu.memory_space<hbm>> -> memref<80x125xi32, #tpu.memory_space<hbm>>
      %dma_start3A_38 = arith.constant 0 : i32
      %dma_start3A_39 = tpu.memref_slice %arg3[%arg0, %mul3A_9, %dma_start3A_38] : memref<2x1280x125xi32, #tpu.memory_space<hbm>> -> memref<1x80x125xi32, #tpu.memory_space<hbm>>
      %dma_start3A_40 = tpu.memref_squeeze %dma_start3A_39 : memref<1x80x125xi32, #tpu.memory_space<hbm>> -> memref<80x125xi32, #tpu.memory_space<hbm>>
      tpu.enqueue_dma source(%dma_start3A_40 : memref<80x125xi32, #tpu.memory_space<hbm>>) target(%arg7 : memref<80x125xi32, #tpu.memory_space<vmem>>) target_semaphore(%run_scoped3A : memref<!tpu.dma_semaphore, #tpu.memory_space<semaphore_mem>>)
      %dma_wait3A = arith.constant 0 : i32
      %dma_wait3A_41 = tpu.memref_slice %arg3[%arg0, %mul3A_9, %dma_wait3A] : memref<2x1280x125xi32, #tpu.memory_space<hbm>> -> memref<1x80x125xi32, #tpu.memory_space<hbm>>
      %dma_wait3A_42 = tpu.memref_squeeze %dma_wait3A_41 : memref<1x80x125xi32, #tpu.memory_space<hbm>> -> memref<80x125xi32, #tpu.memory_space<hbm>>
      %dma_wait3A_43 = arith.constant 0 : i32
      %dma_wait3A_44 = tpu.memref_slice %arg3[%arg0, %mul3A_9, %dma_wait3A_43] : memref<2x1280x125xi32, #tpu.memory_space<hbm>> -> memref<1x80x125xi32, #tpu.memory_space<hbm>>
      %dma_wait3A_45 = tpu.memref_squeeze %dma_wait3A_44 : memref<1x80x125xi32, #tpu.memory_space<hbm>> -> memref<80x125xi32, #tpu.memory_space<hbm>>
      tpu.wait_dma2 semaphore(%run_scoped3A : memref<!tpu.dma_semaphore, #tpu.memory_space<semaphore_mem>>) src(%dma_wait3A_45 : memref<80x125xi32, #tpu.memory_space<hbm>>) dst(%arg7 : memref<80x125xi32, #tpu.memory_space<vmem>>)
      tpu.yield
    }) : () -> ()
    %barrier3A = arith.constant 0 : index
    tpu.barrier barrier_id(%barrier3A)
    %dma_start3A = arith.constant 0 : i32
    %dma_start3A_10 = arith.constant 0 : i32
    %dma_start3A_11 = arith.constant 0 : i32
    %dma_start3A_12 = arith.constant 0 : i32
    %dma_start3A_13 = arith.constant 0 : i32
    %dma_start3A_14 = tpu.memref_slice %arg8[%dma_start3A_10, %dma_start3A_12, %dma_start3A_13] : memref<2x125x16xf32, #tpu.memory_space<vmem>> -> memref<1x125x16xf32, #tpu.memory_space<vmem>>
    %dma_start3A_15 = tpu.memref_squeeze %dma_start3A_14 : memref<1x125x16xf32, #tpu.memory_space<vmem>> -> memref<125x16xf32, #tpu.memory_space<vmem>>
    %dma_start3A_16 = arith.constant 0 : i32
    %dma_start3A_17 = tpu.memref_slice %arg6[%dma_start3A, %dma_start3A_16] : memref<80x125xi32, #tpu.memory_space<vmem>> -> memref<1x125xi32, #tpu.memory_space<vmem>>
    %dma_start3A_18 = tpu.memref_squeeze %dma_start3A_17 : memref<1x125xi32, #tpu.memory_space<vmem>> -> memref<125xi32, #tpu.memory_space<vmem>>
    %dma_start3A_19 = arith.constant 0 : i32
    %dma_start3A_20 = arith.constant 0 : i32
    %dma_start3A_21 = tpu.memref_slice %arg4[%dma_start3A_19, %dma_start3A_20] : memref<20000x16xf32, #tpu.memory_space<hbm>> -> memref<20000x16xf32, #tpu.memory_space<hbm>>
    %dma_start3A_22 = tpu.memref_slice %arg11[%dma_start3A_11] : memref<2x!tpu.dma_semaphore, #tpu.memory_space<semaphore_mem>> -> memref<1x!tpu.dma_semaphore, #tpu.memory_space<semaphore_mem>>
    %dma_start3A_23 = tpu.memref_squeeze %dma_start3A_22 : memref<1x!tpu.dma_semaphore, #tpu.memory_space<semaphore_mem>> -> memref<!tpu.dma_semaphore, #tpu.memory_space<semaphore_mem>>
    tpu.enqueue_indirect_dma source(%dma_start3A_21 : memref<20000x16xf32, #tpu.memory_space<hbm>>) target(%dma_start3A_15 : memref<125x16xf32, #tpu.memory_space<vmem>>) offsets(%dma_start3A_18 : memref<125xi32, #tpu.memory_space<vmem>>) semaphore(%dma_start3A_23 : memref<!tpu.dma_semaphore, #tpu.memory_space<semaphore_mem>>)
    %scan3A_24 = arith.constant 0 : i32
    %scan3A_25 = arith.constant 0 : i32
    %scan3A_26 = arith.constant 80 : i32
    %scan3A_27 = arith.addi %scan3A_25, %scan3A_26 : i32
    %scan3A_28 = arith.constant 1 : i32
    scf.for %scan3A_35 = %scan3A_25 to %scan3A_27 step %scan3A_28  : i32 {
      %rem3A = arith.constant 2 : i32
      %rem3A_36 = arith.remsi %scan3A_35, %rem3A : i32
      %add3A = arith.constant 1 : i32
      %add3A_37 = arith.addi %scan3A_35, %add3A : i32
      %rem3A_38 = arith.constant 2 : i32
      %rem3A_39 = arith.remsi %add3A_37, %rem3A_38 : i32
      %add3A_40 = arith.constant 1 : i32
      %add3A_41 = arith.addi %scan3A_35, %add3A_40 : i32
      %lt3A = arith.constant 80 : i32
      %lt3A_42 = arith.cmpi slt, %add3A_41, %lt3A : i32
      %convert_element_type3A = arith.extui %lt3A_42 : i1 to i32
      %cond3A = arith.constant 0 : i32
      %cond3A_43 = arith.cmpi ne, %convert_element_type3A, %cond3A : i32
      scf.if %cond3A_43 {
        %add3A_55 = arith.constant 1 : i32
        %add3A_56 = arith.addi %scan3A_35, %add3A_55 : i32
        %dma_start3A_57 = arith.constant 0 : i32
        %dma_start3A_58 = arith.constant 0 : i32
        %dma_start3A_59 = tpu.memref_slice %arg8[%rem3A_39, %dma_start3A_57, %dma_start3A_58] : memref<2x125x16xf32, #tpu.memory_space<vmem>> -> memref<1x125x16xf32, #tpu.memory_space<vmem>>
        %dma_start3A_60 = tpu.memref_squeeze %dma_start3A_59 : memref<1x125x16xf32, #tpu.memory_space<vmem>> -> memref<125x16xf32, #tpu.memory_space<vmem>>
        %dma_start3A_61 = arith.constant 0 : i32
        %dma_start3A_62 = tpu.memref_slice %arg6[%add3A_56, %dma_start3A_61] : memref<80x125xi32, #tpu.memory_space<vmem>> -> memref<1x125xi32, #tpu.memory_space<vmem>>
        %dma_start3A_63 = tpu.memref_squeeze %dma_start3A_62 : memref<1x125xi32, #tpu.memory_space<vmem>> -> memref<125xi32, #tpu.memory_space<vmem>>
        %dma_start3A_64 = arith.constant 0 : i32
        %dma_start3A_65 = arith.constant 0 : i32
        %dma_start3A_66 = tpu.memref_slice %arg4[%dma_start3A_64, %dma_start3A_65] : memref<20000x16xf32, #tpu.memory_space<hbm>> -> memref<20000x16xf32, #tpu.memory_space<hbm>>
        %dma_start3A_67 = tpu.memref_slice %arg11[%rem3A_39] : memref<2x!tpu.dma_semaphore, #tpu.memory_space<semaphore_mem>> -> memref<1x!tpu.dma_semaphore, #tpu.memory_space<semaphore_mem>>
        %dma_start3A_68 = tpu.memref_squeeze %dma_start3A_67 : memref<1x!tpu.dma_semaphore, #tpu.memory_space<semaphore_mem>> -> memref<!tpu.dma_semaphore, #tpu.memory_space<semaphore_mem>>
        tpu.enqueue_indirect_dma source(%dma_start3A_66 : memref<20000x16xf32, #tpu.memory_space<hbm>>) target(%dma_start3A_60 : memref<125x16xf32, #tpu.memory_space<vmem>>) offsets(%dma_start3A_63 : memref<125xi32, #tpu.memory_space<vmem>>) semaphore(%dma_start3A_68 : memref<!tpu.dma_semaphore, #tpu.memory_space<semaphore_mem>>)
      } else {
      }
      %dma_wait3A = arith.constant 0 : i32
      %dma_wait3A_44 = arith.constant 0 : i32
      %dma_wait3A_45 = tpu.memref_slice %arg8[%rem3A_36, %dma_wait3A, %dma_wait3A_44] : memref<2x125x16xf32, #tpu.memory_space<vmem>> -> memref<1x125x16xf32, #tpu.memory_space<vmem>>
      %dma_wait3A_46 = tpu.memref_squeeze %dma_wait3A_45 : memref<1x125x16xf32, #tpu.memory_space<vmem>> -> memref<125x16xf32, #tpu.memory_space<vmem>>
      %dma_wait3A_47 = arith.constant 0 : i32
      %dma_wait3A_48 = tpu.memref_slice %arg6[%scan3A_35, %dma_wait3A_47] : memref<80x125xi32, #tpu.memory_space<vmem>> -> memref<1x125xi32, #tpu.memory_space<vmem>>
      %dma_wait3A_49 = tpu.memref_squeeze %dma_wait3A_48 : memref<1x125xi32, #tpu.memory_space<vmem>> -> memref<125xi32, #tpu.memory_space<vmem>>
      %dma_wait3A_50 = arith.constant 0 : i32
      %dma_wait3A_51 = arith.constant 0 : i32
      %dma_wait3A_52 = tpu.memref_slice %arg4[%dma_wait3A_50, %dma_wait3A_51] : memref<20000x16xf32, #tpu.memory_space<hbm>> -> memref<20000x16xf32, #tpu.memory_space<hbm>>
      %dma_wait3A_53 = tpu.memref_slice %arg11[%rem3A_36] : memref<2x!tpu.dma_semaphore, #tpu.memory_space<semaphore_mem>> -> memref<1x!tpu.dma_semaphore, #tpu.memory_space<semaphore_mem>>
      %dma_wait3A_54 = tpu.memref_squeeze %dma_wait3A_53 : memref<1x!tpu.dma_semaphore, #tpu.memory_space<semaphore_mem>> -> memref<!tpu.dma_semaphore, #tpu.memory_space<semaphore_mem>>
      tpu.wait_indirect_dma semaphore(%dma_wait3A_54 : memref<!tpu.dma_semaphore, #tpu.memory_space<semaphore_mem>>) src(%dma_wait3A_52 : memref<20000x16xf32, #tpu.memory_space<hbm>>) dst(%dma_wait3A_46 : memref<125x16xf32, #tpu.memory_space<vmem>>)
      "tpu.region"() ({
        %run_scoped3A = tpu.sem_alloc : memref<!tpu.dma_semaphore, #tpu.memory_space<semaphore_mem>>
        %dma_start3A_55 = arith.constant 0 : i32
        %dma_start3A_56 = arith.constant 0 : i32
        %dma_start3A_57 = tpu.memref_slice %arg8[%rem3A_36, %dma_start3A_55, %dma_start3A_56] : memref<2x125x16xf32, #tpu.memory_space<vmem>> -> memref<1x125x16xf32, #tpu.memory_space<vmem>>
        %dma_start3A_58 = tpu.memref_squeeze %dma_start3A_57 : memref<1x125x16xf32, #tpu.memory_space<vmem>> -> memref<125x16xf32, #tpu.memory_space<vmem>>
        %dma_start3A_59 = arith.constant 0 : i32
        %dma_start3A_60 = tpu.memref_slice %arg7[%scan3A_35, %dma_start3A_59] : memref<80x125xi32, #tpu.memory_space<vmem>> -> memref<1x125xi32, #tpu.memory_space<vmem>>
        %dma_start3A_61 = tpu.memref_squeeze %dma_start3A_60 : memref<1x125xi32, #tpu.memory_space<vmem>> -> memref<125xi32, #tpu.memory_space<vmem>>
        %dma_start3A_62 = arith.constant 0 : i32
        %dma_start3A_63 = arith.constant 0 : i32
        %dma_start3A_64 = tpu.memref_slice %arg10[%dma_start3A_62, %dma_start3A_63] : memref<10112x16xf32, #tpu.memory_space<vmem_shared>> -> memref<10112x16xf32, #tpu.memory_space<vmem_shared>>
        tpu.enqueue_indirect_dma source(%dma_start3A_58 : memref<125x16xf32, #tpu.memory_space<vmem>>) target(%dma_start3A_64 : memref<10112x16xf32, #tpu.memory_space<vmem_shared>>) offsets(%dma_start3A_61 : memref<125xi32, #tpu.memory_space<vmem>>) semaphore(%run_scoped3A : memref<!tpu.dma_semaphore, #tpu.memory_space<semaphore_mem>>) {add = true}
        %dma_wait3A_65 = arith.constant 0 : i32
        %dma_wait3A_66 = arith.constant 0 : i32
        %dma_wait3A_67 = tpu.memref_slice %arg8[%rem3A_36, %dma_wait3A_65, %dma_wait3A_66] : memref<2x125x16xf32, #tpu.memory_space<vmem>> -> memref<1x125x16xf32, #tpu.memory_space<vmem>>
        %dma_wait3A_68 = tpu.memref_squeeze %dma_wait3A_67 : memref<1x125x16xf32, #tpu.memory_space<vmem>> -> memref<125x16xf32, #tpu.memory_space<vmem>>
        %dma_wait3A_69 = arith.constant 0 : i32
        %dma_wait3A_70 = tpu.memref_slice %arg7[%scan3A_35, %dma_wait3A_69] : memref<80x125xi32, #tpu.memory_space<vmem>> -> memref<1x125xi32, #tpu.memory_space<vmem>>
        %dma_wait3A_71 = tpu.memref_squeeze %dma_wait3A_70 : memref<1x125xi32, #tpu.memory_space<vmem>> -> memref<125xi32, #tpu.memory_space<vmem>>
        %dma_wait3A_72 = arith.constant 0 : i32
        %dma_wait3A_73 = arith.constant 0 : i32
        %dma_wait3A_74 = tpu.memref_slice %arg10[%dma_wait3A_72, %dma_wait3A_73] : memref<10112x16xf32, #tpu.memory_space<vmem_shared>> -> memref<10112x16xf32, #tpu.memory_space<vmem_shared>>
        tpu.wait_indirect_dma semaphore(%run_scoped3A : memref<!tpu.dma_semaphore, #tpu.memory_space<semaphore_mem>>) src(%dma_wait3A_68 : memref<125x16xf32, #tpu.memory_space<vmem>>) dst(%dma_wait3A_74 : memref<10112x16xf32, #tpu.memory_space<vmem_shared>>)
        tpu.yield
      }) : () -> ()
    }
    %scan3A_29 = arith.constant 80 : i32
    %barrier3A_30 = arith.constant 0 : index
    tpu.barrier barrier_id(%barrier3A_30)
    %mul3A_31 = arith.constant 632 : i32
    %mul3A_32 = arith.muli %arg1, %mul3A_31 : i32
    %mul3A_33 = arith.constant 632 : i32
    %mul3A_34 = arith.muli %arg1, %mul3A_33 : i32
    "tpu.region"() ({
      %run_scoped3A = tpu.sem_alloc : memref<!tpu.dma_semaphore, #tpu.memory_space<semaphore_mem>>
      %dma_start3A_35 = arith.constant 0 : i32
      %dma_start3A_36 = tpu.memref_slice %arg5[%arg0, %mul3A_34, %dma_start3A_35] : memref<2x10112x16xf32, #tpu.memory_space<hbm>> -> memref<1x632x16xf32, #tpu.memory_space<hbm>>
      %dma_start3A_37 = tpu.memref_squeeze %dma_start3A_36 : memref<1x632x16xf32, #tpu.memory_space<hbm>> -> memref<632x16xf32, #tpu.memory_space<hbm>>
      %dma_start3A_38 = arith.constant 0 : i32
      %dma_start3A_39 = tpu.memref_slice %arg10[%mul3A_32, %dma_start3A_38] : memref<10112x16xf32, #tpu.memory_space<vmem_shared>> -> memref<632x16xf32, #tpu.memory_space<vmem_shared>>
      tpu.enqueue_dma source(%dma_start3A_39 : memref<632x16xf32, #tpu.memory_space<vmem_shared>>) target(%dma_start3A_37 : memref<632x16xf32, #tpu.memory_space<hbm>>) target_semaphore(%run_scoped3A : memref<!tpu.dma_semaphore, #tpu.memory_space<semaphore_mem>>)
      %dma_wait3A = arith.constant 0 : i32
      %dma_wait3A_40 = tpu.memref_slice %arg5[%arg0, %mul3A_34, %dma_wait3A] : memref<2x10112x16xf32, #tpu.memory_space<hbm>> -> memref<1x632x16xf32, #tpu.memory_space<hbm>>
      %dma_wait3A_41 = tpu.memref_squeeze %dma_wait3A_40 : memref<1x632x16xf32, #tpu.memory_space<hbm>> -> memref<632x16xf32, #tpu.memory_space<hbm>>
      %dma_wait3A_42 = arith.constant 0 : i32
      %dma_wait3A_43 = tpu.memref_slice %arg10[%mul3A_32, %dma_wait3A_42] : memref<10112x16xf32, #tpu.memory_space<vmem_shared>> -> memref<632x16xf32, #tpu.memory_space<vmem_shared>>
      tpu.wait_dma2 semaphore(%run_scoped3A : memref<!tpu.dma_semaphore, #tpu.memory_space<semaphore_mem>>) src(%dma_wait3A_43 : memref<632x16xf32, #tpu.memory_space<vmem_shared>>) dst(%dma_wait3A_41 : memref<632x16xf32, #tpu.memory_space<hbm>>)
      tpu.yield
    }) : () -> ()
    return
  }
}

module attributes {stable_mosaic.version = 14 : i64} {
  func.func @_xw_body(%arg0: i32, %arg1: memref<10000x128xf32, #tpu.memory_space<vmem>>, %arg2: memref<1x128x32xf32, #tpu.memory_space<vmem>>, %arg3: memref<1x10000x32xf32, #tpu.memory_space<vmem>>) attributes {dimension_semantics = [#tpu.dimension_semantics<arbitrary>], iteration_bounds = array<i64: 2>, scalar_prefetch = 0 : i64, scratch_operands = 0 : i64, tpu.core_type = #tpu.core_type<tc>, window_params = [{pipeline_mode = #tpu.pipeline_mode<synchronous>, transform_indices = @transform_0, window_bounds = array<i64: 10000, 128>}, {transform_indices = @transform_1, window_bounds = array<i64: 1, 128, 32>}, {transform_indices = @transform_2, window_bounds = array<i64: 1, 10000, 32>}]} {
    %get3A = arith.constant 0 : index
    %get3A_0 = arith.constant 0 : index
    %get3A_1 = vector.load %arg1[%get3A, %get3A_0] : memref<10000x128xf32, #tpu.memory_space<vmem>>, vector<10000x128xf32>
    %get3A_2 = arith.constant 0 : index
    %get3A_3 = arith.constant 0 : index
    %get3A_4 = arith.constant 0 : index
    %get3A_5 = vector.load %arg2[%get3A_2, %get3A_3, %get3A_4] : memref<1x128x32xf32, #tpu.memory_space<vmem>>, vector<1x128x32xf32>
    %get3A_6 = vector.shape_cast %get3A_5 : vector<1x128x32xf32> to vector<128x32xf32>
    %dot_general3A = arith.constant dense<0.000000e+00> : vector<10000x32xf32>
    %dot_general3A_7 = tpu.matmul %get3A_1, %get3A_6, %dot_general3A {dimension_numbers = #tpu.dot_dimension_numbers<[1], [0], [0], [1], [0, 0, 1, 1], [], []>, transpose_lhs_hint = false} : vector<10000x128xf32>, vector<128x32xf32>, vector<10000x32xf32> -> vector<10000x32xf32>
    %swap3A = arith.constant 0 : index
    %swap3A_8 = arith.constant 0 : index
    %swap3A_9 = arith.constant 0 : index
    %swap3A_10 = vector.load %arg3[%swap3A, %swap3A_8, %swap3A_9] : memref<1x10000x32xf32, #tpu.memory_space<vmem>>, vector<1x10000x32xf32>
    %swap3A_11 = vector.shape_cast %swap3A_10 : vector<1x10000x32xf32> to vector<10000x32xf32>
    %swap3A_12 = vector.shape_cast %dot_general3A_7 : vector<10000x32xf32> to vector<1x10000x32xf32>
    tpu.vector_store %arg3[%swap3A, %swap3A_8, %swap3A_9], %swap3A_12 {strides = array<i32>} : memref<1x10000x32xf32, #tpu.memory_space<vmem>>, vector<1x10000x32xf32>,
    return
  }
  func.func @transform_0(%arg0: i32) -> (i32, i32) {
    %c0_i32 = arith.constant 0 : i32
    %c0_i32_0 = arith.constant 0 : i32
    %c0_i32_1 = arith.constant 0 : i32
    return %c0_i32, %c0_i32_0 : i32, i32
  }
  func.func @transform_1(%arg0: i32) -> (i32, i32, i32) {
    %c0_i32 = arith.constant 0 : i32
    %c0_i32_0 = arith.constant 0 : i32
    %c0_i32_1 = arith.constant 0 : i32
    return %arg0, %c0_i32, %c0_i32_0 : i32, i32, i32
  }
  func.func @transform_2(%arg0: i32) -> (i32, i32, i32) {
    %c0_i32 = arith.constant 0 : i32
    %c0_i32_0 = arith.constant 0 : i32
    %c0_i32_1 = arith.constant 0 : i32
    return %arg0, %c0_i32, %c0_i32_0 : i32, i32, i32
  }
}

module attributes {stable_mosaic.version = 14 : i64} {
  func.func @_h2_body(%arg0: i32, %arg1: memref<1x10000x32xf32, #tpu.memory_space<vmem>>, %arg2: memref<1x10000x32xf32, #tpu.memory_space<vmem>>, %arg3: memref<1x32x16xf32, #tpu.memory_space<vmem>>, %arg4: memref<1x10000x16xf32, #tpu.memory_space<vmem>>) attributes {dimension_semantics = [#tpu.dimension_semantics<arbitrary>], iteration_bounds = array<i64: 2>, scalar_prefetch = 0 : i64, scratch_operands = 0 : i64, tpu.core_type = #tpu.core_type<tc>, window_params = [{transform_indices = @transform_0, window_bounds = array<i64: 1, 10000, 32>}, {transform_indices = @transform_1, window_bounds = array<i64: 1, 10000, 32>}, {transform_indices = @transform_2, window_bounds = array<i64: 1, 32, 16>}, {transform_indices = @transform_3, window_bounds = array<i64: 1, 10000, 16>}]} {
    %get3A = arith.constant 0 : index
    %get3A_0 = arith.constant 0 : index
    %get3A_1 = arith.constant 0 : index
    %get3A_2 = vector.load %arg1[%get3A, %get3A_0, %get3A_1] : memref<1x10000x32xf32, #tpu.memory_space<vmem>>, vector<1x10000x32xf32>
    %get3A_3 = vector.shape_cast %get3A_2 : vector<1x10000x32xf32> to vector<10000x32xf32>
    %max3A = arith.constant 0.000000e+00 : f32
    %max3A_4 = vector.broadcast %max3A : f32 to vector<10000x32xf32>
    %max3A_5 = arith.maximumf %get3A_3, %max3A_4 : vector<10000x32xf32>
    %get3A_6 = arith.constant 0 : index
    %get3A_7 = arith.constant 0 : index
    %get3A_8 = arith.constant 0 : index
    %get3A_9 = vector.load %arg2[%get3A_6, %get3A_7, %get3A_8] : memref<1x10000x32xf32, #tpu.memory_space<vmem>>, vector<1x10000x32xf32>
    %get3A_10 = vector.shape_cast %get3A_9 : vector<1x10000x32xf32> to vector<10000x32xf32>
    %add3A = arith.addf %max3A_5, %get3A_10 : vector<10000x32xf32>
    %get3A_11 = arith.constant 0 : index
    %get3A_12 = arith.constant 0 : index
    %get3A_13 = arith.constant 0 : index
    %get3A_14 = vector.load %arg3[%get3A_11, %get3A_12, %get3A_13] : memref<1x32x16xf32, #tpu.memory_space<vmem>>, vector<1x32x16xf32>
    %get3A_15 = vector.shape_cast %get3A_14 : vector<1x32x16xf32> to vector<32x16xf32>
    %dot_general3A = arith.constant dense<0.000000e+00> : vector<10000x16xf32>
    %dot_general3A_16 = tpu.matmul %add3A, %get3A_15, %dot_general3A {dimension_numbers = #tpu.dot_dimension_numbers<[1], [0], [0], [1], [0, 0, 1, 1], [], []>, transpose_lhs_hint = false} : vector<10000x32xf32>, vector<32x16xf32>, vector<10000x16xf32> -> vector<10000x16xf32>
    %swap3A = arith.constant 0 : index
    %swap3A_17 = arith.constant 0 : index
    %swap3A_18 = arith.constant 0 : index
    %swap3A_19 = vector.load %arg4[%swap3A, %swap3A_17, %swap3A_18] : memref<1x10000x16xf32, #tpu.memory_space<vmem>>, vector<1x10000x16xf32>
    %swap3A_20 = vector.shape_cast %swap3A_19 : vector<1x10000x16xf32> to vector<10000x16xf32>
    %swap3A_21 = vector.shape_cast %dot_general3A_16 : vector<10000x16xf32> to vector<1x10000x16xf32>
    tpu.vector_store %arg4[%swap3A, %swap3A_17, %swap3A_18], %swap3A_21 {strides = array<i32>} : memref<1x10000x16xf32, #tpu.memory_space<vmem>>, vector<1x10000x16xf32>,
    return
  }
  func.func @transform_0(%arg0: i32) -> (i32, i32, i32) {
    %c0_i32 = arith.constant 0 : i32
    %c0_i32_0 = arith.constant 0 : i32
    %c0_i32_1 = arith.constant 0 : i32
    return %arg0, %c0_i32, %c0_i32_0 : i32, i32, i32
  }
  func.func @transform_1(%arg0: i32) -> (i32, i32, i32) {
    %c0_i32 = arith.constant 0 : i32
    %c0_i32_0 = arith.constant 0 : i32
    %c0_i32_1 = arith.constant 0 : i32
    return %arg0, %c0_i32, %c0_i32_0 : i32, i32, i32
  }
  func.func @transform_2(%arg0: i32) -> (i32, i32, i32) {
    %c0_i32 = arith.constant 0 : i32
    %c0_i32_0 = arith.constant 0 : i32
    %c0_i32_1 = arith.constant 0 : i32
    return %arg0, %c0_i32, %c0_i32_0 : i32, i32, i32
  }
  func.func @transform_3(%arg0: i32) -> (i32, i32, i32) {
    %c0_i32 = arith.constant 0 : i32
    %c0_i32_0 = arith.constant 0 : i32
    %c0_i32_1 = arith.constant 0 : i32
    return %arg0, %c0_i32, %c0_i32_0 : i32, i32, i32
  }
}

module attributes {stable_mosaic.version = 14 : i64} {
  func.func @_combine_body(%arg0: memref<2x10000x16xf32, #tpu.memory_space<vmem>>, %arg1: memref<2x16x1xf32, #tpu.memory_space<vmem>>, %arg2: memref<10000x16xf32, #tpu.memory_space<vmem>>) attributes {dimension_semantics = [], scalar_prefetch = 0 : i64, scratch_operands = 0 : i64, tpu.core_type = #tpu.core_type<tc>} {
    %get3A = arith.constant 0 : index
    %get3A_0 = arith.constant 0 : index
    %get3A_1 = arith.constant 0 : index
    %get3A_2 = vector.load %arg0[%get3A, %get3A_0, %get3A_1] : memref<2x10000x16xf32, #tpu.memory_space<vmem>>, vector<1x10000x16xf32>
    %get3A_3 = vector.shape_cast %get3A_2 : vector<1x10000x16xf32> to vector<10000x16xf32>
    %get3A_4 = arith.constant 1 : index
    %get3A_5 = arith.constant 0 : index
    %get3A_6 = arith.constant 0 : index
    %get3A_7 = vector.load %arg0[%get3A_4, %get3A_5, %get3A_6] : memref<2x10000x16xf32, #tpu.memory_space<vmem>>, vector<1x10000x16xf32>
    %get3A_8 = vector.shape_cast %get3A_7 : vector<1x10000x16xf32> to vector<10000x16xf32>
    %get3A_9 = arith.constant 0 : index
    %get3A_10 = arith.constant 0 : index
    %get3A_11 = arith.constant 0 : index
    %get3A_12 = vector.load %arg1[%get3A_9, %get3A_10, %get3A_11] : memref<2x16x1xf32, #tpu.memory_space<vmem>>, vector<1x16x1xf32>
    %get3A_13 = vector.shape_cast %get3A_12 : vector<1x16x1xf32> to vector<16x1xf32>
    %dot_general3A = arith.constant dense<0.000000e+00> : vector<10000x1xf32>
    %dot_general3A_14 = tpu.matmul %get3A_3, %get3A_13, %dot_general3A {dimension_numbers = #tpu.dot_dimension_numbers<[1], [0], [0], [1], [0, 0, 1, 1], [], []>, transpose_lhs_hint = false} : vector<10000x16xf32>, vector<16x1xf32>, vector<10000x1xf32> -> vector<10000x1xf32>
    %get3A_15 = arith.constant 1 : index
    %get3A_16 = arith.constant 0 : index
    %get3A_17 = arith.constant 0 : index
    %get3A_18 = vector.load %arg1[%get3A_15, %get3A_16, %get3A_17] : memref<2x16x1xf32, #tpu.memory_space<vmem>>, vector<1x16x1xf32>
    %get3A_19 = vector.shape_cast %get3A_18 : vector<1x16x1xf32> to vector<16x1xf32>
    %dot_general3A_20 = arith.constant dense<0.000000e+00> : vector<10000x1xf32>
    %dot_general3A_21 = tpu.matmul %get3A_8, %get3A_19, %dot_general3A_20 {dimension_numbers = #tpu.dot_dimension_numbers<[1], [0], [0], [1], [0, 0, 1, 1], [], []>, transpose_lhs_hint = false} : vector<10000x16xf32>, vector<16x1xf32>, vector<10000x1xf32> -> vector<10000x1xf32>
    %exp3A = math.exp %dot_general3A_14 : vector<10000x1xf32>
    %exp3A_22 = math.exp %dot_general3A_21 : vector<10000x1xf32>
    %add3A = arith.addf %exp3A, %exp3A_22 : vector<10000x1xf32>
    %div3A = arith.divf %exp3A, %add3A : vector<10000x1xf32>
    %mul3A = vector.broadcast %div3A : vector<10000x1xf32> to vector<10000x16xf32>
    %mul3A_23 = arith.mulf %mul3A, %get3A_3 : vector<10000x16xf32>
    %div3A_24 = arith.divf %exp3A_22, %add3A : vector<10000x1xf32>
    %mul3A_25 = vector.broadcast %div3A_24 : vector<10000x1xf32> to vector<10000x16xf32>
    %mul3A_26 = arith.mulf %mul3A_25, %get3A_8 : vector<10000x16xf32>
    %add3A_27 = arith.addf %mul3A_23, %mul3A_26 : vector<10000x16xf32>
    %swap3A = arith.constant 0 : index
    %swap3A_28 = arith.constant 0 : index
    %swap3A_29 = vector.load %arg2[%swap3A, %swap3A_28] : memref<10000x16xf32, #tpu.memory_space<vmem>>, vector<10000x16xf32>
    tpu.vector_store %arg2[%swap3A, %swap3A_28], %add3A_27 {strides = array<i32>} : memref<10000x16xf32, #tpu.memory_space<vmem>>, vector<10000x16xf32>,
    return
  }
}

module attributes {stable_mosaic.version = 14 : i64} {
  func.func @_decoder_body(%arg0: i32, %arg1: memref<400x16xf32, #tpu.memory_space<vmem>>, %arg2: memref<16x10000xf32, #tpu.memory_space<vmem>>, %arg3: memref<400x10000xf32, #tpu.memory_space<vmem>>) attributes {dimension_semantics = [#tpu.dimension_semantics<arbitrary>], iteration_bounds = array<i64: 25>, scalar_prefetch = 0 : i64, scratch_operands = 0 : i64, tpu.core_type = #tpu.core_type<tc>, window_params = [{transform_indices = @transform_0, window_bounds = array<i64: 400, 16>}, {pipeline_mode = #tpu.pipeline_mode<synchronous>, transform_indices = @transform_1, window_bounds = array<i64: 16, 10000>}, {transform_indices = @transform_2, window_bounds = array<i64: 400, 10000>}]} {
    %get3A = arith.constant 0 : index
    %get3A_0 = arith.constant 0 : index
    %get3A_1 = vector.load %arg1[%get3A, %get3A_0] : memref<400x16xf32, #tpu.memory_space<vmem>>, vector<400x16xf32>
    %get3A_2 = arith.constant 0 : index
    %get3A_3 = arith.constant 0 : index
    %get3A_4 = vector.load %arg2[%get3A_2, %get3A_3] : memref<16x10000xf32, #tpu.memory_space<vmem>>, vector<16x10000xf32>
    %dot_general3A = arith.constant dense<0.000000e+00> : vector<400x10000xf32>
    %dot_general3A_5 = tpu.matmul %get3A_1, %get3A_4, %dot_general3A {dimension_numbers = #tpu.dot_dimension_numbers<[1], [0], [0], [1], [0, 0, 1, 1], [], []>, transpose_lhs_hint = false} : vector<400x16xf32>, vector<16x10000xf32>, vector<400x10000xf32> -> vector<400x10000xf32>
    %swap3A = arith.constant 0 : index
    %swap3A_6 = arith.constant 0 : index
    %swap3A_7 = vector.load %arg3[%swap3A, %swap3A_6] : memref<400x10000xf32, #tpu.memory_space<vmem>>, vector<400x10000xf32>
    tpu.vector_store %arg3[%swap3A, %swap3A_6], %dot_general3A_5 {strides = array<i32>} : memref<400x10000xf32, #tpu.memory_space<vmem>>, vector<400x10000xf32>,
    return
  }
  func.func @transform_0(%arg0: i32) -> (i32, i32) {
    %c0_i32 = arith.constant 0 : i32
    %c0_i32_0 = arith.constant 0 : i32
    return %arg0, %c0_i32 : i32, i32
  }
  func.func @transform_1(%arg0: i32) -> (i32, i32) {
    %c0_i32 = arith.constant 0 : i32
    %c0_i32_0 = arith.constant 0 : i32
    %c0_i32_1 = arith.constant 0 : i32
    return %c0_i32, %c0_i32_0 : i32, i32
  }
  func.func @transform_2(%arg0: i32) -> (i32, i32) {
    %c0_i32 = arith.constant 0 : i32
    %c0_i32_0 = arith.constant 0 : i32
    return %arg0, %c0_i32 : i32, i32
  }
}

</mosaic_0001>

<sc_bundles>
// kernel: kernel.11.cloned.1.call-start
scs
__scs_entry_jumppad:
0x0: {  	(pc) =	sbr.rel $0x88, $3  }
0x1: {  	(tag) =	ssettag $0x0;
	lr =	simm.s32 $0x1  }
0x2: {  	[smem:$0x3F98] =	sst lr;
	_ =	strace $0xD0000000  }
0x3: {  	_ = 	snop  }
0x4: {  	_ = 	snop  }
0x5: {  	_ = 	snop  }
0x6: {  	_ = 	snop  }
0x7: {  	_ = 	snop  }
__scs_overlays_trampoline_lowered:
0x8: {  	[smem:$0x3FA7] =	sst s0  }
0x9: {  	[smem:$0x3FA8] =	sst s1  }
0xa: {  	[smem:$0x3FA9] =	sst s2  }
0xb: {  	[smem:$0x3FAA] =	sst s3  }
0xc: {  	[smem:$0x3FAB] =	sst s4  }
0xd: {  	[smem:$0x3FAC] =	sst s5  }
0xe: {  	[smem:$0x3FAD] =	sst s6  }
0xf: {  	[smem:$0x3FAE] =	sst s7  }
0x10: {  	[smem:$0x3FAF] =	sst s8  }
0x11: {  	[smem:$0x3FB0] =	sst s9;
	s0 =	simm.s32 @!p0 $0x0  }
0x12: {  	s1 =	sld [smem:$0x3F96];
	s0 =	simm.s32 @p0 $0x1  }
0x13: {  	[smem:$0x3FB1] =	sst s0;
	s0 =	simm.s32 @!p1 $0x0  }
0x14: {  	s2 =	sld [smem:$0x3F95];
	s0 =	simm.s32 @p1 $0x1  }
0x15: {  	[smem:$0x3FB2] =	sst s0;
	s0 =	simm.s32 @!p2 $0x0  }
0x16: {  	s3 =	sld [smem:$0x3FDB];
	s0 =	simm.s32 @p2 $0x1  }
0x17: {  	s4 =	simm.s32 $0x1BF5;
	[smem:$0x3FB4] =	sst s0  }
0x18: {  	s0 =	sld [smem:$0x3F97];
	_ =	swait.ge [sflag:s4], $0x0  }
0x19: {  	s7 =	sld [smem:$0x3F98]  }
0x1a: {  	s8 =	sadd.s32 $0xFFFFE003, lr  }
0x1b: {  	s9 =	sadd.s32 $0xFFFFFEF7, lr;
	s5 =	simm.s32 $0xFFFFFFFF;
	p2 =	slt.u32 s8, $0xFFFFF086  }
0x1c: {  	p1 =	slt.u32 s9, $0xF7A;
	s5 =	simm.s32 @!p2 $0x0  }
0x1d: {  	s5 =	simm.s32 @p1 $0x1;
	p0 =	seq.s32 s7, s2  }
0x1e: {  	s7 =	smul.u32 @!p0 $0xF7A, s2;
	p2 =	seq.s32 @!p0 s5, $0x0  }
0x1f: {  	s9 =	smul.u32 $0xF7A, s1;
	s8 =	simm.s32 @!p0 $0x1BF5;
	p2 =	por !p2, p0  }
0x20: {  	[sflag:s8] =	ssyncset.s32 @!p0 $0xFFFFF086;
	s6 =	sadd.s32 @!p0 s3, s7;
	s7 =	simm.s32 @!p0 $0x108  }
0x21: {  	s3 =	sadd.s32 s3, s9;
	s6 =	sadd.s32 @!p0 $0x88, s6;
	s7 =	simm.s32 @p2 $0x1082  }
0x22: {  	[simem:s7], [sflag:s8] =	dma.local @!p0 [hbm:s6], $0xF7A  }
0x23: {  	s9 =	sor.u32 $0xD0000000, s2;
	s6 =	simm.s32 $0x108;
	_ =	swait.ge @!p0 [sflag:s8], $0x0  }
0x24: {  	s3 =	sadd.s32 $0x88, s3;
	s6 =	simm.s32 @!p1 $0x1082;
	[sflag:s4] =	ssyncset.s32 $0xFFFFF086  }
0x25: {  	[simem:s6], [sflag:s4] =	dma.local [hbm:s3], $0xF7A  }
0x26: {  	[smem:$0x3F98] =	sst s1;
	(tag) =	ssettag s2;
	_ =	strace s9  }
0x27: {  	s1 =	sld [smem:$0x3FA8]  }
0x28: {  	s2 =	sld [smem:$0x3FA9]  }
0x29: {  	s4 =	sld [smem:$0x3FAB]  }
0x2a: {  	p0 =	seq.s32 s5, $0x0;
	s5 =	sld [smem:$0x3FAC]  }
0x2b: {  	s6 =	sld [smem:$0x3FAD]  }
0x2c: {  	s7 =	sld [smem:$0x3FAE]  }
0x2d: {  	s3 =	simm.s32 $0x108;
	s8 =	sld [smem:$0x3FAF]  }
0x2e: {  	s3 =	simm.s32 @!p0 $0x1082;
	s9 =	sld [smem:$0x3FB0]  }
0x2f: {  	lr =	sadd.s32 s0, s3;
	s0 =	sld [smem:$0x3FA7]  }
0x30: {  	s3 =	sld [smem:$0x3FAA]  }
0x31: {  	[smem:$0x3FB3] =	sst s10  }
0x32: {  	s10 =	sld [smem:$0x3FB1];
	_ =	sdelay $0x3  }
0x33: {  	p0 =	seq.s32 s10, $0x1;
	s10 =	sld [smem:$0x3FB3];
	_ =	sdelay $0x3  }
0x34: {  	[smem:$0x3FB3] =	sst s10  }
0x35: {  	s10 =	sld [smem:$0x3FB2];
	_ =	sdelay $0x3  }
0x36: {  	p1 =	seq.s32 s10, $0x1;
	s10 =	sld [smem:$0x3FB3];
	_ =	sdelay $0x3  }
0x37: {  	[smem:$0x3FB3] =	sst s10  }
0x38: {  	s10 =	sld [smem:$0x3FB4]  }
0x39: {  	_ = 	snop;
	(pc) =	sbr.ind lr, $3  }
0x3a: {  	_ = 	snop  }
0x3b: {  	_ = 	snop  }
0x3c: {  	p2 =	seq.s32 s10, $0x1;
	s10 =	sld [smem:$0x3FB3]  }
0x3d: {  	_ =	shalt  }
0x3e: {  	_ =	shalt  }
0x3f: {  	_ =	shalt  }
0x40: {  	_ =	shalt  }
0x41: {  	_ =	shalt  }
0x42: {  	_ =	shalt  }
0x43: {  	_ =	shalt  }
0x44: {  	_ =	shalt  }
0x45: {  	_ =	shalt  }
0x46: {  	_ =	shalt  }
0x47: {  	_ =	shalt  }
0x48: {  	_ =	shalt  }
0x49: {  	_ =	shalt  }
0x4a: {  	_ =	shalt  }
0x4b: {  	_ =	shalt  }
0x4c: {  	_ =	shalt  }
0x4d: {  	_ =	shalt  }
0x4e: {  	_ =	shalt  }
0x4f: {  	_ =	shalt  }
0x50: {  	_ =	shalt  }
0x51: {  	_ =	shalt  }
0x52: {  	_ =	shalt  }
0x53: {  	_ =	shalt  }
0x54: {  	_ =	shalt  }
0x55: {  	_ =	shalt  }
0x56: {  	_ =	shalt  }
0x57: {  	_ =	shalt  }
0x58: {  	_ =	shalt  }
0x59: {  	_ =	shalt  }
0x5a: {  	_ =	shalt  }
0x5b: {  	_ =	shalt  }
0x5c: {  	_ =	shalt  }
0x5d: {  	_ =	shalt  }
0x5e: {  	_ =	shalt  }
0x5f: {  	_ =	shalt  }
0x60: {  	_ =	shalt  }
0x61: {  	_ =	shalt  }
0x62: {  	_ =	shalt  }
0x63: {  	_ =	shalt  }
0x64: {  	_ =	shalt  }
0x65: {  	_ =	shalt  }
0x66: {  	_ =	shalt  }
0x67: {  	_ =	shalt  }
0x68: {  	_ =	shalt  }
0x69: {  	_ =	shalt  }
0x6a: {  	_ =	shalt  }
0x6b: {  	_ =	shalt  }
0x6c: {  	_ =	shalt  }
0x6d: {  	_ =	shalt  }
0x6e: {  	_ =	shalt  }
0x6f: {  	_ =	shalt  }
0x70: {  	_ =	shalt  }
0x71: {  	_ =	shalt  }
0x72: {  	_ =	shalt  }
0x73: {  	_ =	shalt  }
0x74: {  	_ =	shalt  }
0x75: {  	_ =	shalt  }
0x76: {  	_ =	shalt  }
0x77: {  	_ =	shalt  }
0x78: {  	_ =	shalt  }
0x79: {  	_ =	shalt  }
0x7a: {  	_ =	shalt  }
0x7b: {  	_ =	shalt  }
0x7c: {  	_ =	shalt  }
0x7d: {  	_ =	shalt  }
0x7e: {  	_ =	shalt  }
0x7f: {  	_ =	shalt  }
0x80: {  	_ =	shalt  }
0x81: {  	_ =	shalt  }
0x82: {  	_ =	shalt  }
0x83: {  	_ =	shalt  }
0x84: {  	_ =	shalt  }
0x85: {  	_ =	shalt  }
0x86: {  	_ =	shalt  }
0x87: {  	_ =	shalt  }
.Lfunc_end0:
.L_simem_size_0:
called_computation.1_lowered:
.L_overlay_start_0:
0x88: {  	s2 =	sld [smem:$0x3FD9]  }
0x89: {  	s3 =	sld [smem:$0x3FFE];
	_ =	sdelay $0x1  }
0x8a: {  	s1 =	srdreg.scid  }
0x8b: {  	s0 =	sand.u32 $0x1, s1  }
0x8c: {  	s17 =	sshll.u32 s0, $0xA;
	s2 =	sadd.s32 s3, s2  }
0x8d: {  	s2 =	sadd.s32 s2, s17  }
0x8e: {  	[smem:$0x3FBF] =	sst s2  }
0x8f: {  	_ = 	snop  }
0x90: {  	s2 =	sld [smem:$0x3FD0];
	(tm) =	ssettm $0x1  }
0x91: {  	s18 =	sld [smem:$0x3FFB];
	_ =	sdelay $0x3  }
0x92: {  	_ =	strace s18  }
0x93: {  	s3 =	sld [smem:$0x3FFC];
	_ =	sdelay $0x3  }
0x94: {  	_ =	strace s3  }
0x95: {  	s3 =	sld [smem:$0x3FFD];
	_ =	sdelay $0x3  }
0x96: {  	_ =	strace s3  }
0x97: {  	_ =	strace $0x8FFFFFFF  }
0x98: {  	s19 =	sld [smem:$0x3FDB];
	_ =	sdelay $0x1  }
0x99: {  	s4 =	simm.s32 $_scs_section_size  }
0x9a: {  	s5 =	simm.s32 $_size__tile_overlayer_lowered;
	s6 =	simm.s32 $_tile_overlayer_lowered  }
0x9b: {  	s22 =	simm.s32 $0x1BFF;
	s21 =	sshll.u32 s6, $0x1;
	s3 =	sadd.s32 s4, s19  }
0x9c: {  	s7 =	simm.s32 $0x0;
	s20 =	sshll.u32 s5, $0x1;
	s5 =	sadd.s32 s21, s3  }
0x9d: {  	[timem:s7], [sflag:s22] =	dma.local [hbm:s5], s20  }
0x9e: {  	_ =	swait.ge [sflag:s22], s20  }
0x9f: {  	s4 =	ssub.s32 $0x0, s20;
	[sflag:s22] =	ssyncset.done $0x0  }
0xa0: {  	[sflag:s22] =	ssyncadd.s32 s4;
	_ =	sdelay $0x1  }
0xa1: {  	s23 =	simm.s32 $0x1B8B  }
0xa2: {  	_ =	swait.ge [sflag:s23], $0x1  }
0xa3: {  	[sflag:s23] =	ssyncset.done $0x0  }
0xa4: {  	s25 =	simm.s32 $0x1B8E;
	s24 =	sld [smem:$0x3FFE];
	[sflag:s23] =	ssyncadd.s32 $0xFFFFFFFF  }
0xa5: {  	s26 =	simm.s32 $execute0_lowered;
	[smem:$0x3FD2] =	sst s25  }
0xa6: {  	s5 =	sshll.u32 s26, $0x1;
	_ =	strace $0x80000049;
	[dreg:$0x1] =	wrdreg $0xFFFFFFFF  }
0xa7: {  	s28 =	simm.s32 $_size_execute0_lowered;
	s3 =	sadd.s32 s3, s5;
	[dreg:$0x0] =	wrdreg $0x0  }
0xa8: {  	s5 =	sshll.u32 s28, $0x1;
	[dreg:$0x2] =	wrdreg s3  }
0xa9: {  	[dreg:$0x3] =	wrdreg s5  }
0xaa: {  	[dreg:$0x4] =	wrdreg $0xC0  }
0xab: {  	_ =	task [dreg:s7], $0x5FFFF  }
0xac: {  	[dreg:$0x1] =	wrdreg $0xFFFFFFFF  }
0xad: {  	[dreg:$0x0] =	wrdreg $0x60  }
0xae: {  	[dreg:$0x2] =	wrdreg s24  }
0xaf: {  	[dreg:$0x3] =	wrdreg s2  }
0xb0: {  	[dreg:$0x4] =	wrdreg $0x87200  }
0xb1: {  	[dreg:$0x5] =	wrdreg $0x9  }
0xb2: {  	_ =	task.clear_ibuf [dreg:s7], $0x6FFFF;
	_ =	strace $0x90000049  }
0xb3: {  	s29 =	simm.s32 $0x9;
	_ =	strace $0x8000004B  }
0xb4: {  	_ =	swait.ge [sflag:s29], $0x1  }
0xb5: {  	[sflag:s29] =	ssyncadd.s32 $0xFFFFFFFF  }
0xb6: {  	_ =	strace $0x9000004B  }
0xb7: {  	_ =	sfence  }
0xb8: {  	s30 =	sld [smem:$0x0];
	_ =	sdelay $0x2  }
0xb9: {  	s31 =	sshll.u32 s1, $0xD;
	s1 =	sshrl.u32 s1, $0x2  }
0xba: {  	s3 =	sand.u32 $0x4000, s31;
	s1 =	sadd.s32 s1, s30  }
0xbb: {  	s0 =	sor.u32 s3, s0;
	s1 =	sshll.u32 s1, $0x11  }
0xbc: {  	s0 =	sor.u32 s1, s0  }
0xbd: {  	s0 =	sadd.s32 $0x8F2B, s0  }
0xbe: {  	[sflag:s0] =	ssyncadd.remote.s32 $0x1  }
0xbf: {  	_ =	sfence.sel $0xFFFF  }
0xc0: {  	[dreg:$0x0] =	wrdreg $0xFFFFFFFF;
	(pc) =	sbr.abs _section_cstart, $3  }
0xc1: {  	[dreg:$0x1] =	wrdreg $0xFFFFFFFF  }
0xc2: {  	_ =	task.clear_ibuf [dreg:s7], $0x2FFFF;
	_ =	strace $0x9FFFFFFF  }
0xc3: {  	(tm) =	ssettm $0x7FFFFFFF  }
tec
execute0_lowered:
.L_overlay_start_1:
0x0: {  	(tag) =	ssettag $0x1  }
0x1: {  	s4 =	rddreg [dreg:$0x0]  }
0x2: {  	s8 =	rddreg [dreg:$0x1]  }
0x3: {  	s0 =	srdreg.scid;
	s2 =	rddreg [dreg:$0x2]  }
0x4: {  	s1 =	rddreg [dreg:$0x3];
	s5 =	sand.u32 $0x1, s0  }
0x5: {  	s3 =	simm.s32 $0x0;
	s0 =	stileid.u32;
	s6 =	smul.u32 $0x28000, s5  }
0x6: {  	s12 =	simm.s32 $0x7D;
	s13 =	simm.s32 $0x5000;
	s7 =	smul.u32 $0x2800, s0  }
0x7: {  	s14 =	simm.s32 $0x2;
	s15 =	simm.s32 $0x4F80;
	s30 =	smul.u32 $0x2780, s0  }
0x8: {  	s16 =	simm.s32 $0x57D0;
	[smem:$0x7FF] =	sst s3;
	s9 =	smul.u32 $0x27800, s5  }
0x9: {  	s17 =	simm.s32 $0x0;
	_ =	strace $0x8000004A;
	s5 =	ssub.s32 $0x2, s5  }
0xa: {  	s31 =	sshrl.u32 s5, $0x1;
	s6 =	sadd.s32 s7, s6;
	s9 =	sadd.s32 s30, s9  }
0xb: {  	s11 =	ssub.s32 s5, s31;
	s5 =	sadd.s32 s30, s2;
	s6 =	sshrl.u32 s6, $0x3  }
0xc: {  	s9 =	sshrl.u32 s9, $0x3;
	s10 =	sadd.s32 s6, s4;
	s4 =	sadd.s32 $0x15C00, s4  }
0xd: {  	s8 =	sadd.s32 s8, s9;
	s9 =	smax.u32 s11, $0x1;
	s11 =	simm.s32 $0x3  }
0xe: {  	v0 =	vimm.f32 $0.0e+00;
	s6 =	sadd.s32 $0xBC00, s10;
	s7 =	sadd.s32 $0x1C00, s10;
	s10 =	simm.s32 $0x5FA0  }
.LBB2_1:
0xf: {  	s18 =	simm.s32 $0x40;
	s19 =	simm.s32 $0x0  }
.LBB2_2:
0x10: {  	p0 =	sne.s32 s18, $0x9DC0;
	[tilespmem:s19+$0x5FA0] =	vst v0;
	s19 =	smov.u32 s18;
	s18 =	sadd.s32 $0x40, s18  }
.Ltmp0:
0x11: {  	(pc) =	sbr.rel @p0 .LBB2_2-.Ltmp0, $2  }
0x12: {  	_ =	sdelay $0x2  }
0x13: {  	s19 =	sshra.s32 s19, $0x2  }
0x14: {  	[tilespmem:s19+$0x5FA0] =	vst v0  }
0x15: {  	[spmem:s5] =	stream.linear.scatter [tilespmem:s10], [sflag:$0x3], $0x2780, $0x38;
	[tilespmem:$0xAEA0] =	vst v63  }
0x16: {  	_ =	swait.ge [sflag:s11], $0x2780  }
0x17: {  	[sflag:s11] =	ssyncset.done $0x0  }
0x18: {  	[sflag:s11] =	ssyncadd.s32 $0xFFFFD880  }
0x19: {  	[tilespmem:s3], [sflag:$0x3] =	stream.linear.gather [hbm4b:s6+s3], $0x2800, $0x38;
	[tilespmem:$0xAEA0] =	vst v63  }
0x1a: {  	_ =	swait.ge [sflag:s11], $0x2800  }
0x1b: {  	[sflag:s11] =	ssyncset.done $0x0  }
0x1c: {  	s18 =	simm.s32 $0x2800;
	s30 =	simm.s32 $0x1;
	[sflag:s11] =	ssyncadd.s32 $0xFFFFD800  }
0x1d: {  	[tilespmem:s18], [sflag:$0x3] =	stream.linear.gather [hbm4b:s7+s3], $0x2800, $0x38;
	[tilespmem:$0xAEA0] =	vst v63  }
0x1e: {  	s19 =	sand.u32 $0x1, s30;
	_ =	swait.ge [sflag:s11], $0x2800  }
0x1f: {  	s21 =	simm.s32 $0x0;
	s20 =	smul.u32 $0x1F40, s19;
	[sflag:s11] =	ssyncset.done $0x0  }
0x20: {  	s22 =	simm.s32 $0x80;
	s21 =	sand.u32 $0x1, s21;
	[sflag:s11] =	ssyncadd.s32 $0xFFFFD800  }
0x21: {  	s19 =	sadd.s32 $0x1, s19;
	s20 =	sshrl.u32 s20, $0x2;
	[bflag:$0x0] =	sbarrier.arrive $0xFFFF  }
0x22: {  	[tilespmem:s13], [sflag:$0x1] =	stream.indirect.gather [hbm4b:s4+s12], $0x10, s3, s12, $0xb8;
	[tilespmem:$0xAEA0] =	vst v63  }
0x23: {  	s23 =	smul.u32 $0x1F40, s21;
	s24 =	sadd.s32 $0x1, s21;
	s20 =	sor.u32 $0x5000, s20  }
0x24: {  	[tilespmem:s20], [sflag:s19] =	stream.indirect.gather [hbm4b:s4+s12], $0x10, s22, s12, $0xb8;
	[tilespmem:$0xAEA0] =	vst v63  }
0x25: {  	s31 =	sshrl.u32 s23, $0x2;
	_ =	swait.ge [sflag:s24], $0x7D0  }
0x26: {  	s21 =	simm.s32 $0x2;
	s19 =	sor.u32 $0x5000, s31;
	[sflag:s24] =	ssyncset.done $0x0  }
0x27: {  	s22 =	simm.s32 $0x3;
	s20 =	sand.u32 $0x1, s21;
	[sflag:s24] =	ssyncadd.s32 $0xFFFFF830  }
0x28: {  	[spmem:s2] =	stream.indirect.scatter.add.f32 [tilespmem:s19], [sflag:$0x3], $0x10, s18, s12, $0xb8;
	[tilespmem:$0xAEA0] =	vst v63  }
0x29: {  	s23 =	smul.u32 $0x1F40, s20;
	s19 =	simm.s32 $0x100;
	_ =	swait.ge [sflag:s11], $0x7D0  }
.LBB2_4:
0x2a: {  	[sflag:s11] =	ssyncset.done $0x0  }
0x2b: {  	s18 =	sadd.s32 $0x80, s18;
	s24 =	smov.u32 s22;
	s25 =	sadd.s32 $0x1, s22  }
0x2c: {  	s21 =	sadd.s32 $0xFFFFFFFF, s21;
	s23 =	sshrl.u32 s23, $0x2;
	[sflag:s11] =	ssyncadd.s32 $0xFFFFF830  }
0x2d: {  	s20 =	sadd.s32 $0x1, s20;
	s21 =	sand.u32 $0x1, s21;
	s23 =	sor.u32 $0x5000, s23  }
0x2e: {  	p0 =	sne.s32 s22, $0x4F;
	s22 =	smul.u32 $0x1F40, s21;
	s26 =	sadd.s32 $0x1, s21  }
0x2f: {  	[tilespmem:s23], [sflag:s20] =	stream.indirect.gather [hbm4b:s4+s12], $0x10, s19, s12, $0xb8;
	[tilespmem:$0xAEA0] =	vst v63  }
.Ltmp1:
0x30: {  	s20 =	sshrl.u32 s22, $0x2;
	_ =	swait.ge [sflag:s26], $0x7D0;
	(pc) =	sbr.rel @p0 .LBB2_4-.Ltmp1, $4  }
0x31: {  	s21 =	smov.u32 s24;
	s22 =	sor.u32 $0x5000, s20;
	[sflag:s26] =	ssyncset.done $0x0  }
0x32: {  	s19 =	sadd.s32 $0x80, s19;
	s20 =	sand.u32 $0x1, s21;
	[sflag:s26] =	ssyncadd.s32 $0xFFFFF830  }
0x33: {  	[spmem:s2] =	stream.indirect.scatter.add.f32 [tilespmem:s22], [sflag:$0x3], $0x10, s18, s12, $0xb8;
	[tilespmem:$0xAEA0] =	vst v63  }
0x34: {  	s23 =	smul.u32 $0x1F40, s20;
	s22 =	smov.u32 s25;
	_ =	swait.ge [sflag:s11], $0x7D0  }
0x35: {  	[sflag:s11] =	ssyncset.done $0x0;
	s21 =	sadd.s32 $0xFFFFFFFF, s21;
	s20 =	sadd.s32 $0x1, s20  }
0x36: {  	s22 =	sshrl.u32 s23, $0x2;
	[sflag:s11] =	ssyncadd.s32 $0xFFFFF830;
	s21 =	sand.u32 $0x1, s21  }
0x37: {  	s22 =	sor.u32 $0x5000, s22;
	s28 =	smul.u32 $0x1F40, s21;
	s21 =	sadd.s32 $0x1, s21  }
0x38: {  	[tilespmem:s22], [sflag:s20] =	stream.indirect.gather [hbm4b:s4+s12], $0x10, s19, s12, $0xb8;
	[tilespmem:$0xAEA0] =	vst v63  }
0x39: {  	_ =	swait.ge [sflag:s21], $0x7D0  }
0x3a: {  	s29 =	sshrl.u32 s28, $0x2;
	[sflag:s21] =	ssyncset.done $0x0  }
0x3b: {  	s18 =	sadd.s32 $0x80, s18;
	s19 =	sor.u32 $0x5000, s29;
	[sflag:s21] =	ssyncadd.s32 $0xFFFFF830  }
0x3c: {  	[spmem:s2] =	stream.indirect.scatter.add.f32 [tilespmem:s19], [sflag:$0x3], $0x10, s18, s12, $0xb8;
	[tilespmem:$0xAEA0] =	vst v63  }
0x3d: {  	_ =	swait.ge [sflag:s11], $0x7D0  }
0x3e: {  	[sflag:s11] =	ssyncset.done $0x0  }
0x3f: {  	[sflag:s11] =	ssyncadd.s32 $0xFFFFF830  }
0x40: {  	_ =	swait.ge [sflag:s14], $0x7D0  }
0x41: {  	[sflag:s14] =	ssyncset.done $0x0  }
0x42: {  	[sflag:s14] =	ssyncadd.s32 $0xFFFFF830  }
0x43: {  	[spmem:s2] =	stream.indirect.scatter.add.f32 [tilespmem:s16], [sflag:$0x3], $0x10, s15, s12, $0xb8;
	[tilespmem:$0xAEA0] =	vst v63  }
0x44: {  	_ =	swait.ge [sflag:s11], $0x7D0  }
0x45: {  	s30 =	sshll.u32 s0, $0x6;
	s17 =	sadd.s32 $0x1, s17;
	[sflag:s11] =	ssyncset.done $0x0  }
0x46: {  	s31 =	sshrl.u32 s5, $0x3;
	p0 =	sne.s32 s17, s9;
	[sflag:s11] =	ssyncadd.s32 $0xFFFFF830  }
.Ltmp2:
0x47: {  	s18 =	sor.u32 $0x1C03, s30;
	[bflag:$0x0] =	sbarrier.arrive $0xFFFF;
	(pc) =	sbr.rel @p0 .LBB2_1-.Ltmp2, $4  }
0x48: {  	[hbm:s8], [sflag:s18] =	dma.local [spmem:s31], $0x4F0  }
0x49: {  	_ =	swait.ge [sflag:s11], $0x4F0  }
0x4a: {  	[sflag:s11] =	ssyncset.done $0x0  }
0x4b: {  	[sflag:s11] =	ssyncadd.s32 $0xFFFFFB10  }
0x4c: {  	_ =	sfence.sel $0x180000  }
0x4d: {  	[bflag:$0x0] =	sbarrier.arrive $0xFFFF  }
0x4e: {  	p0 =	sne.s32 s0, $0x0;
	_ =	strace $0x9000004A  }
0x4f: {  	s0 =	sadd.s32 @!p0 $0x100000, s1;
	[bflag:$0x2] =	sbarrier.arrive $0xFFFF  }
0x50: {  	[sflag:s0] =	ssyncadd.tile.s32 @!p0 $0x1;
	_ =	shalt  }
.Lfunc_end2:
_tile_overlayer_lowered:
.L_overlay_start_2:
0x51: {  	(tag) =	ssettag $0x2  }
0x52: {  	s0 =	rddreg [dreg:$0x0];
	s2 =	stileid.u32  }
0x53: {  	s1 =	rddreg [dreg:$0x1];
	p0 =	sne.s32 s2, $0x0  }
0x54: {  	s3 =	rddreg [dreg:$0x2];
	[bflag:$0x3] =	sbarrier.arrive $0xFFFF;
	s2 =	simm.s32 @!p0 $0x1C03  }
0x55: {  	[timem:s3], [sflag:s2] =	dma.local @!p0 [hbm:s0], s1  }
0x56: {  	s0 =	simm.s32 @!p0 $0x3  }
0x57: {  	_ =	swait.ge @!p0 [sflag:s0], s1  }
0x58: {  	s1 =	ssub.s32 @!p0 $0x0, s1;
	[sflag:s0] =	ssyncset.done @!p0 $0x0  }
0x59: {  	[sflag:s0] =	ssyncadd.s32 @!p0 s1  }
0x5a: {  	[bflag:$0x3] =	sbarrier.arrive $0xFFFF  }
0x5b: {  	_ =	shalt  }

// kernel: kernel.8.cloned.1.call-start
scs
__scs_entry_jumppad:
0x0: {  	(pc) =	sbr.rel $0x88, $3  }
0x1: {  	(tag) =	ssettag $0x0;
	lr =	simm.s32 $0x1  }
0x2: {  	[smem:$0x3F98] =	sst lr;
	_ =	strace $0xD0000000  }
0x3: {  	_ = 	snop  }
0x4: {  	_ = 	snop  }
0x5: {  	_ = 	snop  }
0x6: {  	_ = 	snop  }
0x7: {  	_ = 	snop  }
__scs_overlays_trampoline_lowered:
0x8: {  	[smem:$0x3FA7] =	sst s0  }
0x9: {  	[smem:$0x3FA8] =	sst s1  }
0xa: {  	[smem:$0x3FA9] =	sst s2  }
0xb: {  	[smem:$0x3FAA] =	sst s3  }
0xc: {  	[smem:$0x3FAB] =	sst s4  }
0xd: {  	[smem:$0x3FAC] =	sst s5  }
0xe: {  	[smem:$0x3FAD] =	sst s6  }
0xf: {  	[smem:$0x3FAE] =	sst s7  }
0x10: {  	[smem:$0x3FAF] =	sst s8  }
0x11: {  	[smem:$0x3FB0] =	sst s9;
	s0 =	simm.s32 @!p0 $0x0  }
0x12: {  	s1 =	sld [smem:$0x3F96];
	s0 =	simm.s32 @p0 $0x1  }
0x13: {  	[smem:$0x3FB1] =	sst s0;
	s0 =	simm.s32 @!p1 $0x0  }
0x14: {  	s2 =	sld [smem:$0x3F95];
	s0 =	simm.s32 @p1 $0x1  }
0x15: {  	[smem:$0x3FB2] =	sst s0;
	s0 =	simm.s32 @!p2 $0x0  }
0x16: {  	s3 =	sld [smem:$0x3FDB];
	s0 =	simm.s32 @p2 $0x1  }
0x17: {  	s4 =	simm.s32 $0x1BF5;
	[smem:$0x3FB4] =	sst s0  }
0x18: {  	s0 =	sld [smem:$0x3F97];
	_ =	swait.ge [sflag:s4], $0x0  }
0x19: {  	s7 =	sld [smem:$0x3F98]  }
0x1a: {  	s8 =	sadd.s32 $0xFFFFE003, lr  }
0x1b: {  	s9 =	sadd.s32 $0xFFFFFEF7, lr;
	s5 =	simm.s32 $0xFFFFFFFF;
	p2 =	slt.u32 s8, $0xFFFFF086  }
0x1c: {  	p1 =	slt.u32 s9, $0xF7A;
	s5 =	simm.s32 @!p2 $0x0  }
0x1d: {  	s5 =	simm.s32 @p1 $0x1;
	p0 =	seq.s32 s7, s2  }
0x1e: {  	s7 =	smul.u32 @!p0 $0xF7A, s2;
	p2 =	seq.s32 @!p0 s5, $0x0  }
0x1f: {  	s9 =	smul.u32 $0xF7A, s1;
	s8 =	simm.s32 @!p0 $0x1BF5;
	p2 =	por !p2, p0  }
0x20: {  	[sflag:s8] =	ssyncset.s32 @!p0 $0xFFFFF086;
	s6 =	sadd.s32 @!p0 s3, s7;
	s7 =	simm.s32 @!p0 $0x108  }
0x21: {  	s3 =	sadd.s32 s3, s9;
	s6 =	sadd.s32 @!p0 $0x88, s6;
	s7 =	simm.s32 @p2 $0x1082  }
0x22: {  	[simem:s7], [sflag:s8] =	dma.local @!p0 [hbm:s6], $0xF7A  }
0x23: {  	s9 =	sor.u32 $0xD0000000, s2;
	s6 =	simm.s32 $0x108;
	_ =	swait.ge @!p0 [sflag:s8], $0x0  }
0x24: {  	s3 =	sadd.s32 $0x88, s3;
	s6 =	simm.s32 @!p1 $0x1082;
	[sflag:s4] =	ssyncset.s32 $0xFFFFF086  }
0x25: {  	[simem:s6], [sflag:s4] =	dma.local [hbm:s3], $0xF7A  }
0x26: {  	[smem:$0x3F98] =	sst s1;
	(tag) =	ssettag s2;
	_ =	strace s9  }
0x27: {  	s1 =	sld [smem:$0x3FA8]  }
0x28: {  	s2 =	sld [smem:$0x3FA9]  }
0x29: {  	s4 =	sld [smem:$0x3FAB]  }
0x2a: {  	p0 =	seq.s32 s5, $0x0;
	s5 =	sld [smem:$0x3FAC]  }
0x2b: {  	s6 =	sld [smem:$0x3FAD]  }
0x2c: {  	s7 =	sld [smem:$0x3FAE]  }
0x2d: {  	s3 =	simm.s32 $0x108;
	s8 =	sld [smem:$0x3FAF]  }
0x2e: {  	s3 =	simm.s32 @!p0 $0x1082;
	s9 =	sld [smem:$0x3FB0]  }
0x2f: {  	lr =	sadd.s32 s0, s3;
	s0 =	sld [smem:$0x3FA7]  }
0x30: {  	s3 =	sld [smem:$0x3FAA]  }
0x31: {  	[smem:$0x3FB3] =	sst s10  }
0x32: {  	s10 =	sld [smem:$0x3FB1];
	_ =	sdelay $0x3  }
0x33: {  	p0 =	seq.s32 s10, $0x1;
	s10 =	sld [smem:$0x3FB3];
	_ =	sdelay $0x3  }
0x34: {  	[smem:$0x3FB3] =	sst s10  }
0x35: {  	s10 =	sld [smem:$0x3FB2];
	_ =	sdelay $0x3  }
0x36: {  	p1 =	seq.s32 s10, $0x1;
	s10 =	sld [smem:$0x3FB3];
	_ =	sdelay $0x3  }
0x37: {  	[smem:$0x3FB3] =	sst s10  }
0x38: {  	s10 =	sld [smem:$0x3FB4]  }
0x39: {  	_ = 	snop;
	(pc) =	sbr.ind lr, $3  }
0x3a: {  	_ = 	snop  }
0x3b: {  	_ = 	snop  }
0x3c: {  	p2 =	seq.s32 s10, $0x1;
	s10 =	sld [smem:$0x3FB3]  }
0x3d: {  	_ =	shalt  }
0x3e: {  	_ =	shalt  }
0x3f: {  	_ =	shalt  }
0x40: {  	_ =	shalt  }
0x41: {  	_ =	shalt  }
0x42: {  	_ =	shalt  }
0x43: {  	_ =	shalt  }
0x44: {  	_ =	shalt  }
0x45: {  	_ =	shalt  }
0x46: {  	_ =	shalt  }
0x47: {  	_ =	shalt  }
0x48: {  	_ =	shalt  }
0x49: {  	_ =	shalt  }
0x4a: {  	_ =	shalt  }
0x4b: {  	_ =	shalt  }
0x4c: {  	_ =	shalt  }
0x4d: {  	_ =	shalt  }
0x4e: {  	_ =	shalt  }
0x4f: {  	_ =	shalt  }
0x50: {  	_ =	shalt  }
0x51: {  	_ =	shalt  }
0x52: {  	_ =	shalt  }
0x53: {  	_ =	shalt  }
0x54: {  	_ =	shalt  }
0x55: {  	_ =	shalt  }
0x56: {  	_ =	shalt  }
0x57: {  	_ =	shalt  }
0x58: {  	_ =	shalt  }
0x59: {  	_ =	shalt  }
0x5a: {  	_ =	shalt  }
0x5b: {  	_ =	shalt  }
0x5c: {  	_ =	shalt  }
0x5d: {  	_ =	shalt  }
0x5e: {  	_ =	shalt  }
0x5f: {  	_ =	shalt  }
0x60: {  	_ =	shalt  }
0x61: {  	_ =	shalt  }
0x62: {  	_ =	shalt  }
0x63: {  	_ =	shalt  }
0x64: {  	_ =	shalt  }
0x65: {  	_ =	shalt  }
0x66: {  	_ =	shalt  }
0x67: {  	_ =	shalt  }
0x68: {  	_ =	shalt  }
0x69: {  	_ =	shalt  }
0x6a: {  	_ =	shalt  }
0x6b: {  	_ =	shalt  }
0x6c: {  	_ =	shalt  }
0x6d: {  	_ =	shalt  }
0x6e: {  	_ =	shalt  }
0x6f: {  	_ =	shalt  }
0x70: {  	_ =	shalt  }
0x71: {  	_ =	shalt  }
0x72: {  	_ =	shalt  }
0x73: {  	_ =	shalt  }
0x74: {  	_ =	shalt  }
0x75: {  	_ =	shalt  }
0x76: {  	_ =	shalt  }
0x77: {  	_ =	shalt  }
0x78: {  	_ =	shalt  }
0x79: {  	_ =	shalt  }
0x7a: {  	_ =	shalt  }
0x7b: {  	_ =	shalt  }
0x7c: {  	_ =	shalt  }
0x7d: {  	_ =	shalt  }
0x7e: {  	_ =	shalt  }
0x7f: {  	_ =	shalt  }
0x80: {  	_ =	shalt  }
0x81: {  	_ =	shalt  }
0x82: {  	_ =	shalt  }
0x83: {  	_ =	shalt  }
0x84: {  	_ =	shalt  }
0x85: {  	_ =	shalt  }
0x86: {  	_ =	shalt  }
0x87: {  	_ =	shalt  }
.Lfunc_end0:
.L_simem_size_0:
called_computation_lowered:
.L_overlay_start_0:
0x88: {  	s2 =	sld [smem:$0x3FD9]  }
0x89: {  	s3 =	sld [smem:$0x3FFE];
	_ =	sdelay $0x1  }
0x8a: {  	s1 =	srdreg.scid  }
0x8b: {  	s0 =	sand.u32 $0x1, s1  }
0x8c: {  	s16 =	sshll.u32 s0, $0xA;
	s2 =	sadd.s32 s3, s2  }
0x8d: {  	s2 =	sadd.s32 s2, s16  }
0x8e: {  	[smem:$0x3FBF] =	sst s2  }
0x8f: {  	_ = 	snop  }
0x90: {  	(tm) =	ssettm $0x1  }
0x91: {  	s17 =	sld [smem:$0x3FFB];
	_ =	sdelay $0x3  }
0x92: {  	_ =	strace s17  }
0x93: {  	s2 =	sld [smem:$0x3FFC];
	_ =	sdelay $0x3  }
0x94: {  	_ =	strace s2  }
0x95: {  	s2 =	sld [smem:$0x3FFD];
	_ =	sdelay $0x3  }
0x96: {  	_ =	strace s2  }
0x97: {  	_ =	strace $0x8FFFFFFF  }
0x98: {  	s18 =	sld [smem:$0x3FDB];
	_ =	sdelay $0x1  }
0x99: {  	s19 =	simm.s32 $_scs_section_size  }
0x9a: {  	s4 =	simm.s32 $_size__tile_overlayer_lowered;
	s5 =	simm.s32 $_tile_overlayer_lowered  }
0x9b: {  	s22 =	simm.s32 $0x1BFF;
	s21 =	sshll.u32 s5, $0x1;
	s2 =	sadd.s32 s19, s18  }
0x9c: {  	s6 =	simm.s32 $0x0;
	s20 =	sshll.u32 s4, $0x1;
	s4 =	sadd.s32 s21, s2  }
0x9d: {  	[timem:s6], [sflag:s22] =	dma.local [hbm:s4], s20  }
0x9e: {  	_ =	swait.ge [sflag:s22], s20  }
0x9f: {  	s3 =	ssub.s32 $0x0, s20;
	[sflag:s22] =	ssyncset.done $0x0  }
0xa0: {  	[sflag:s22] =	ssyncadd.s32 s3;
	_ =	sdelay $0x1  }
0xa1: {  	s23 =	simm.s32 $0x1B8B  }
0xa2: {  	_ =	swait.ge [sflag:s23], $0x1  }
0xa3: {  	[sflag:s23] =	ssyncset.done $0x0  }
0xa4: {  	s25 =	simm.s32 $0x1B8E;
	s24 =	sld [smem:$0x3FFE];
	[sflag:s23] =	ssyncadd.s32 $0xFFFFFFFF  }
0xa5: {  	s26 =	simm.s32 $execute0_lowered;
	[smem:$0x3FD2] =	sst s25  }
0xa6: {  	s4 =	sshll.u32 s26, $0x1;
	_ =	strace $0x80000046;
	[dreg:$0x1] =	wrdreg $0xFFFFFFFF  }
0xa7: {  	s28 =	simm.s32 $_size_execute0_lowered;
	s2 =	sadd.s32 s2, s4;
	[dreg:$0x0] =	wrdreg $0x0  }
0xa8: {  	s4 =	sshll.u32 s28, $0x1;
	[dreg:$0x2] =	wrdreg s2  }
0xa9: {  	[dreg:$0x3] =	wrdreg s4  }
0xaa: {  	[dreg:$0x4] =	wrdreg $0xC0  }
0xab: {  	_ =	task [dreg:s6], $0x5FFFF  }
0xac: {  	[dreg:$0x1] =	wrdreg $0xFFFFFFFF  }
0xad: {  	[dreg:$0x0] =	wrdreg $0x60  }
0xae: {  	[dreg:$0x2] =	wrdreg s24  }
0xaf: {  	[dreg:$0x3] =	wrdreg $0xBE400  }
0xb0: {  	[dreg:$0x4] =	wrdreg $0x9  }
0xb1: {  	_ =	task.clear_ibuf [dreg:s6], $0x5FFFF;
	_ =	strace $0x90000046  }
0xb2: {  	s29 =	simm.s32 $0x9;
	_ =	strace $0x80000048  }
0xb3: {  	_ =	swait.ge [sflag:s29], $0x1  }
0xb4: {  	[sflag:s29] =	ssyncadd.s32 $0xFFFFFFFF  }
0xb5: {  	_ =	strace $0x90000048  }
0xb6: {  	_ =	sfence  }
0xb7: {  	s30 =	sld [smem:$0x0];
	_ =	sdelay $0x2  }
0xb8: {  	s31 =	sshll.u32 s1, $0xD;
	s1 =	sshrl.u32 s1, $0x2  }
0xb9: {  	s3 =	sand.u32 $0x4000, s31;
	s1 =	sadd.s32 s1, s30  }
0xba: {  	s0 =	sor.u32 s3, s0;
	s1 =	sshll.u32 s1, $0x11  }
0xbb: {  	s0 =	sor.u32 s1, s0  }
0xbc: {  	s0 =	sadd.s32 $0x8F2B, s0  }
0xbd: {  	[sflag:s0] =	ssyncadd.remote.s32 $0x1  }
0xbe: {  	_ =	sfence.sel $0xFFFF  }
0xbf: {  	[dreg:$0x0] =	wrdreg $0xFFFFFFFF;
	(pc) =	sbr.abs _section_cstart, $3  }
0xc0: {  	[dreg:$0x1] =	wrdreg $0xFFFFFFFF  }
0xc1: {  	_ =	task.clear_ibuf [dreg:s6], $0x2FFFF;
	_ =	strace $0x9FFFFFFF  }
0xc2: {  	(tm) =	ssettm $0x7FFFFFFF  }
0xc3: {  	_ =	shalt  }
tec
execute0_lowered:
.L_overlay_start_1:
0x0: {  	(tag) =	ssettag $0x1  }
0x1: {  	s5 =	rddreg [dreg:$0x0]  }
0x2: {  	s0 =	srdreg.scid;
	s2 =	rddreg [dreg:$0x1]  }
0x3: {  	s1 =	rddreg [dreg:$0x2];
	s3 =	simm.s32 $0x0;
	s4 =	sand.u32 $0x1, s0  }
0x4: {  	s12 =	simm.s32 $0x7D;
	s0 =	stileid.u32;
	s6 =	smul.u32 $0x28000, s4  }
0x5: {  	s13 =	simm.s32 $0x5000;
	s14 =	simm.s32 $0x2;
	s7 =	smul.u32 $0x2800, s0  }
0x6: {  	s15 =	simm.s32 $0x4F80;
	s16 =	simm.s32 $0x5FA0;
	s8 =	smul.u32 $0x4F00, s0  }
0x7: {  	s17 =	simm.s32 $0x0;
	[smem:$0x7FF] =	sst s3;
	s29 =	smul.u32 $0x4F000, s4  }
0x8: {  	_ =	strace $0x80000047;
	s31 =	ssub.s32 $0x2, s4;
	s6 =	sadd.s32 s7, s6  }
0x9: {  	s4 =	sadd.s32 $0x15C00, s5;
	s30 =	sadd.s32 s8, s29;
	s6 =	sshrl.u32 s6, $0x3  }
0xa: {  	s10 =	sshrl.u32 s31, $0x1;
	s9 =	sadd.s32 s6, s5;
	s6 =	sshrl.u32 s30, $0x3  }
0xb: {  	s10 =	ssub.s32 s31, s10;
	s11 =	sadd.s32 s6, s5;
	s5 =	sadd.s32 s8, s2  }
0xc: {  	s6 =	sadd.s32 $0xBC00, s9;
	s7 =	sadd.s32 $0x1C00, s9;
	s9 =	smax.u32 s10, $0x1  }
0xd: {  	v0 =	vimm.f32 $0.0e+00;
	s10 =	simm.s32 $0x6F40;
	s8 =	sadd.s32 $0x29600, s11;
	s11 =	simm.s32 $0x3  }
.LBB2_1:
0xe: {  	s18 =	simm.s32 $0x80;
	s19 =	simm.s32 $0x0  }
.LBB2_2:
0xf: {  	p0 =	sne.s32 s18, $0x13B80;
	[tilespmem:s19+$0x6F40] =	vst v0;
	s20 =	smov.u32 s18;
	s18 =	sadd.s32 $0x80, s18  }
.Ltmp0:
0x10: {  	[tilespmem:s19+$0x6F50] =	vst v0;
	(pc) =	sbr.rel @p0 .LBB2_2-.Ltmp0, $2  }
0x11: {  	_ =	sdelay $0x2  }
0x12: {  	s19 =	sshra.s32 s20, $0x2  }
0x13: {  	[tilespmem:s19+$0x6F40] =	vst v0  }
0x14: {  	[tilespmem:s19+$0x6F50] =	vst v0  }
0x15: {  	[spmem:s5] =	stream.linear.scatter [tilespmem:s10], [sflag:$0x3], $0x4F00, $0x38;
	[tilespmem:$0x10D40] =	vst v63  }
0x16: {  	_ =	swait.ge [sflag:s11], $0x4F00  }
0x17: {  	[sflag:s11] =	ssyncset.done $0x0  }
0x18: {  	[sflag:s11] =	ssyncadd.s32 $0xFFFFB100  }
0x19: {  	[tilespmem:s3], [sflag:$0x3] =	stream.linear.gather [hbm4b:s6+s3], $0x2800, $0x38;
	[tilespmem:$0x10D40] =	vst v63  }
0x1a: {  	_ =	swait.ge [sflag:s11], $0x2800  }
0x1b: {  	[sflag:s11] =	ssyncset.done $0x0  }
0x1c: {  	s18 =	simm.s32 $0x2800;
	s30 =	simm.s32 $0x1;
	[sflag:s11] =	ssyncadd.s32 $0xFFFFD800  }
0x1d: {  	[tilespmem:s18], [sflag:$0x3] =	stream.linear.gather [hbm4b:s7+s3], $0x2800, $0x38;
	[tilespmem:$0x10D40] =	vst v63  }
0x1e: {  	s19 =	sand.u32 $0x1, s30;
	_ =	swait.ge [sflag:s11], $0x2800  }
0x1f: {  	s21 =	simm.s32 $0x0;
	s20 =	smul.u32 $0x3E80, s19;
	[sflag:s11] =	ssyncset.done $0x0  }
0x20: {  	s22 =	simm.s32 $0x80;
	s21 =	sand.u32 $0x1, s21;
	[sflag:s11] =	ssyncadd.s32 $0xFFFFD800  }
0x21: {  	s19 =	sadd.s32 $0x1, s19;
	s20 =	sshrl.u32 s20, $0x2;
	[bflag:$0x0] =	sbarrier.arrive $0xFFFF  }
0x22: {  	[tilespmem:s13], [sflag:$0x1] =	stream.indirect.gather [hbm4b:s4+s12], $0x20, s3, s12, $0xb8;
	[tilespmem:$0x10D40] =	vst v63  }
0x23: {  	s23 =	smul.u32 $0x3E80, s21;
	s24 =	sadd.s32 $0x1, s21;
	s20 =	sor.u32 $0x5000, s20  }
0x24: {  	[tilespmem:s20], [sflag:s19] =	stream.indirect.gather [hbm4b:s4+s12], $0x20, s22, s12, $0xb8;
	[tilespmem:$0x10D40] =	vst v63  }
0x25: {  	s31 =	sshrl.u32 s23, $0x2;
	_ =	swait.ge [sflag:s24], $0xFA0  }
0x26: {  	s21 =	simm.s32 $0x2;
	s19 =	sor.u32 $0x5000, s31;
	[sflag:s24] =	ssyncset.done $0x0  }
0x27: {  	s22 =	simm.s32 $0x3;
	s20 =	sand.u32 $0x1, s21;
	[sflag:s24] =	ssyncadd.s32 $0xFFFFF060  }
0x28: {  	[spmem:s2] =	stream.indirect.scatter.add.f32 [tilespmem:s19], [sflag:$0x3], $0x20, s18, s12, $0xb8;
	[tilespmem:$0x10D40] =	vst v63  }
0x29: {  	s23 =	smul.u32 $0x3E80, s20;
	s19 =	simm.s32 $0x100;
	_ =	swait.ge [sflag:s11], $0xFA0  }
.LBB2_4:
0x2a: {  	[sflag:s11] =	ssyncset.done $0x0  }
0x2b: {  	s18 =	sadd.s32 $0x80, s18;
	s24 =	smov.u32 s22;
	s25 =	sadd.s32 $0x1, s22  }
0x2c: {  	s21 =	sadd.s32 $0xFFFFFFFF, s21;
	s23 =	sshrl.u32 s23, $0x2;
	[sflag:s11] =	ssyncadd.s32 $0xFFFFF060  }
0x2d: {  	s20 =	sadd.s32 $0x1, s20;
	s21 =	sand.u32 $0x1, s21;
	s23 =	sor.u32 $0x5000, s23  }
0x2e: {  	p0 =	sne.s32 s22, $0x4F;
	s22 =	smul.u32 $0x3E80, s21;
	s26 =	sadd.s32 $0x1, s21  }
0x2f: {  	[tilespmem:s23], [sflag:s20] =	stream.indirect.gather [hbm4b:s4+s12], $0x20, s19, s12, $0xb8;
	[tilespmem:$0x10D40] =	vst v63  }
.Ltmp1:
0x30: {  	s20 =	sshrl.u32 s22, $0x2;
	_ =	swait.ge [sflag:s26], $0xFA0;
	(pc) =	sbr.rel @p0 .LBB2_4-.Ltmp1, $4  }
0x31: {  	s21 =	smov.u32 s24;
	s22 =	sor.u32 $0x5000, s20;
	[sflag:s26] =	ssyncset.done $0x0  }
0x32: {  	s19 =	sadd.s32 $0x80, s19;
	s20 =	sand.u32 $0x1, s21;
	[sflag:s26] =	ssyncadd.s32 $0xFFFFF060  }
0x33: {  	[spmem:s2] =	stream.indirect.scatter.add.f32 [tilespmem:s22], [sflag:$0x3], $0x20, s18, s12, $0xb8;
	[tilespmem:$0x10D40] =	vst v63  }
0x34: {  	s23 =	smul.u32 $0x3E80, s20;
	s22 =	smov.u32 s25;
	_ =	swait.ge [sflag:s11], $0xFA0  }
0x35: {  	[sflag:s11] =	ssyncset.done $0x0;
	s21 =	sadd.s32 $0xFFFFFFFF, s21;
	s20 =	sadd.s32 $0x1, s20  }
0x36: {  	s22 =	sshrl.u32 s23, $0x2;
	[sflag:s11] =	ssyncadd.s32 $0xFFFFF060;
	s21 =	sand.u32 $0x1, s21  }
0x37: {  	s22 =	sor.u32 $0x5000, s22;
	s28 =	smul.u32 $0x3E80, s21;
	s21 =	sadd.s32 $0x1, s21  }
0x38: {  	[tilespmem:s22], [sflag:s20] =	stream.indirect.gather [hbm4b:s4+s12], $0x20, s19, s12, $0xb8;
	[tilespmem:$0x10D40] =	vst v63  }
0x39: {  	_ =	swait.ge [sflag:s21], $0xFA0  }
0x3a: {  	s29 =	sshrl.u32 s28, $0x2;
	[sflag:s21] =	ssyncset.done $0x0  }
0x3b: {  	s18 =	sadd.s32 $0x80, s18;
	s19 =	sor.u32 $0x5000, s29;
	[sflag:s21] =	ssyncadd.s32 $0xFFFFF060  }
0x3c: {  	[spmem:s2] =	stream.indirect.scatter.add.f32 [tilespmem:s19], [sflag:$0x3], $0x20, s18, s12, $0xb8;
	[tilespmem:$0x10D40] =	vst v63  }
0x3d: {  	_ =	swait.ge [sflag:s11], $0xFA0  }
0x3e: {  	[sflag:s11] =	ssyncset.done $0x0  }
0x3f: {  	[sflag:s11] =	ssyncadd.s32 $0xFFFFF060  }
0x40: {  	_ =	swait.ge [sflag:s14], $0xFA0  }
0x41: {  	[sflag:s14] =	ssyncset.done $0x0  }
0x42: {  	[sflag:s14] =	ssyncadd.s32 $0xFFFFF060  }
0x43: {  	[spmem:s2] =	stream.indirect.scatter.add.f32 [tilespmem:s16], [sflag:$0x3], $0x20, s15, s12, $0xb8;
	[tilespmem:$0x10D40] =	vst v63  }
0x44: {  	_ =	swait.ge [sflag:s11], $0xFA0  }
0x45: {  	s30 =	sshll.u32 s0, $0x6;
	s17 =	sadd.s32 $0x1, s17;
	[sflag:s11] =	ssyncset.done $0x0  }
0x46: {  	s31 =	sshrl.u32 s5, $0x3;
	p0 =	sne.s32 s17, s9;
	[sflag:s11] =	ssyncadd.s32 $0xFFFFF060  }
.Ltmp2:
0x47: {  	s18 =	sor.u32 $0x1C03, s30;
	[bflag:$0x0] =	sbarrier.arrive $0xFFFF;
	(pc) =	sbr.rel @p0 .LBB2_1-.Ltmp2, $4  }
0x48: {  	[hbm:s8], [sflag:s18] =	dma.local [spmem:s31], $0x9E0  }
0x49: {  	_ =	swait.ge [sflag:s11], $0x9E0  }
0x4a: {  	[sflag:s11] =	ssyncset.done $0x0  }
0x4b: {  	[sflag:s11] =	ssyncadd.s32 $0xFFFFF620  }
0x4c: {  	_ =	sfence.sel $0x180000  }
0x4d: {  	[bflag:$0x0] =	sbarrier.arrive $0xFFFF  }
0x4e: {  	p0 =	sne.s32 s0, $0x0;
	_ =	strace $0x90000047  }
0x4f: {  	s0 =	sadd.s32 @!p0 $0x100000, s1;
	[bflag:$0x2] =	sbarrier.arrive $0xFFFF  }
0x50: {  	[sflag:s0] =	ssyncadd.tile.s32 @!p0 $0x1;
	_ =	shalt  }
.Lfunc_end2:
_tile_overlayer_lowered:
.L_overlay_start_2:
0x51: {  	(tag) =	ssettag $0x2  }
0x52: {  	s0 =	rddreg [dreg:$0x0];
	s2 =	stileid.u32  }
0x53: {  	s1 =	rddreg [dreg:$0x1];
	p0 =	sne.s32 s2, $0x0  }
0x54: {  	s3 =	rddreg [dreg:$0x2];
	[bflag:$0x3] =	sbarrier.arrive $0xFFFF;
	s2 =	simm.s32 @!p0 $0x1C03  }
0x55: {  	[timem:s3], [sflag:s2] =	dma.local @!p0 [hbm:s0], s1  }
0x56: {  	s0 =	simm.s32 @!p0 $0x3  }
0x57: {  	_ =	swait.ge @!p0 [sflag:s0], s1  }
0x58: {  	s1 =	ssub.s32 @!p0 $0x0, s1;
	[sflag:s0] =	ssyncset.done @!p0 $0x0  }
0x59: {  	[sflag:s0] =	ssyncadd.s32 @!p0 s1  }
0x5a: {  	[bflag:$0x3] =	sbarrier.arrive $0xFFFF  }
0x5b: {  	_ =	shalt  }

</sc_bundles>
